<compile_context>
chip_gen: v7x
topology: tpu7x:2x2x1
jax: 0.10.2.dev20260603
libtpu: 0.0.44.dev20260713+nightly
codegen_flags: <defaults>
</compile_context>

<pallas_src>
import functools

import jax
import jax.numpy as jnp
from jax import lax
from jax.experimental import pallas as pl
from jax.experimental.pallas import tpu as pltpu
from jax.experimental.pallas import tpu_sc as plsc

_D = 64
_DP = 128
_NW = 32
_CHUNK = 128
_GROUP = 1
_NBUF = 4


@functools.partial(jax.jit, static_argnames=("total",))
def _sc_gather(idx3d, table_p, total):
    b_per_w = total // _NW
    n_chunks = b_per_w // _CHUNK
    n_rounds = n_chunks // _GROUP
    assert n_rounds % _NBUF == 0
    rows_per_buf = _GROUP * _CHUNK
    mesh = plsc.VectorSubcoreMesh(core_axis_name="c", subcore_axis_name="s")

    @functools.partial(
        pl.kernel,
        out_type=jax.ShapeDtypeStruct((total, _DP), jnp.float32),
        mesh=mesh,
        scratch_types=[
            pltpu.VMEM((n_chunks, _CHUNK), jnp.int32),
            pltpu.VMEM((_NBUF, rows_per_buf, _DP), jnp.float32),
            pltpu.SemaphoreType.DMA((_NBUF,)),
            pltpu.SemaphoreType.DMA((_NBUF,)),
        ],
    )
    def gather_kernel(idx_hbm, table_hbm, out_hbm, idx_v, rows_v, gsem, osem):
        cid = lax.axis_index("c")
        sid = lax.axis_index("s")
        wid = sid * 2 + cid
        base = wid * b_per_w

        pltpu.sync_copy(idx_hbm.at[wid], idx_v)

        def fire_gathers(rd, s):
            for g in range(_GROUP):
                pltpu.async_copy(
                    table_hbm.at[idx_v.at[rd * _GROUP + g]],
                    rows_v.at[s].at[pl.ds(g * _CHUNK, _CHUNK)],
                    gsem.at[s])

        def drain_gathers(s):
            pltpu.make_async_copy(table_hbm.at[pl.ds(0, rows_per_buf)],
                                  rows_v.at[s], gsem.at[s]).wait()

        def start_out(rd, s):
            pltpu.async_copy(
                rows_v.at[s],
                out_hbm.at[pl.ds(base + rd * rows_per_buf, rows_per_buf)],
                osem.at[s])

        def wait_out(s):
            pltpu.make_async_copy(rows_v.at[s],
                                  out_hbm.at[pl.ds(base, rows_per_buf)],
                                  osem.at[s]).wait()

        for s in range(_NBUF):
            fire_gathers(s, s)

        @pl.loop(0, n_rounds - _NBUF, step=_NBUF)
        def _body(r):
            for s in range(_NBUF):
                rd = r + s
                drain_gathers(s)
                start_out(rd, s)
                wait_out(s)
                fire_gathers(rd + _NBUF, s)

        for s in range(_NBUF):
            drain_gathers(s)
            start_out(n_rounds - _NBUF + s, s)
            wait_out(s)

    return gather_kernel(idx3d, table_p)


def kernel(words, table):
    batch, hist = words.shape
    hist_p = (hist + 7) // 8 * 8
    total = batch * hist_p
    w32 = words.astype(jnp.int32)
    idx = jnp.concatenate([w32, w32[:, : hist_p - hist]], axis=1)
    idx3d = idx.reshape(_NW, total // (_NW * _CHUNK), _CHUNK)
    table_p = jnp.pad(table, ((0, 0), (0, _DP - _D)))
    out = _sc_gather(idx3d, table_p, total)
    return out[:, :_D].reshape(batch, hist_p, _D)[:, :hist, :]

# --- scband reference (transcript-rebuilt; emitter-appended) ---
"""Pipeline reference for scband-embedding-with-dropout-90194313216698 (READ-ONLY COPY).

The authoritative reference and input builder live on the scoring server;
editing this copy changes nothing except your own understanding.
"""

import jax, jax.numpy as jnp
import numpy as np

VOCAB = 1000000
EMBED_DIM = 64
BATCH = 16384
HIST = 50

def setup_inputs(seed: int = 0) -> dict:
    key = jax.random.key(seed)
    k_words, k_table = jax.random.split(key)
    words = jax.random.randint(k_words, (BATCH, HIST), 0, VOCAB, dtype=jnp.int64)
    table = jax.random.normal(k_table, (VOCAB, EMBED_DIM), dtype=jnp.float32)
    return {"words": words, "table": table}

def reference(words, table):
    # Eval-mode forward of EmbeddingWithDropout: dropout mask is skipped when
    # not training, so masked_embed == weight. scale is None, so no scaling.
    # F.embedding with padding_idx=-1 does not alter forward output values,
    # so the forward pass is a plain row gather.
    return jnp.take(table, words, axis=0)

if __name__ == "__main__":
    import jax
    _d = setup_inputs()
    print(jax.jit(kernel)(*tuple(_d.values())))

</pallas_src>

<mosaic_0001>
#map = affine_map<(d0, d1) -> (0, 0, 0)>
#map1 = affine_map<(d0, d1) -> (0, 0)>
module attributes {stable_mosaic.version = 14 : i64} {
  func.func @gather_kernel(%arg0: i32, %arg1: i32, %arg2: memref<32x224x128xi32, #tpu.memory_space<hbm>>, %arg3: memref<1000000x128xf32, #tpu.memory_space<hbm>>, %arg4: memref<917504x128xf32, #tpu.memory_space<hbm>>, %arg5: memref<224x128xi32, #tpu.memory_space<vmem>>, %arg6: memref<4x128x128xf32, #tpu.memory_space<vmem>>, %arg7: memref<4x!tpu.dma_semaphore, #tpu.memory_space<semaphore_mem>>, %arg8: memref<4x!tpu.dma_semaphore, #tpu.memory_space<semaphore_mem>>) attributes {dimension_semantics = [#tpu.dimension_semantics<core_parallel>, #tpu.dimension_semantics<subcore_parallel>], iteration_bounds = array<i64: 2, 16>, scalar_prefetch = 0 : i64, scratch_operands = 4 : i64, tpu.core_type = #tpu.core_type<sc_vector_subcore>, window_params = [{transform_indices = #map}, {transform_indices = #map1}, {transform_indices = #map1}]} {
    %mul3A = arith.constant 2 : i32
    %mul3A_0 = arith.muli %arg1, %mul3A : i32
    %add3A = arith.addi %mul3A_0, %arg0 : i32
    %mul3A_1 = arith.constant 28672 : i32
    %mul3A_2 = arith.muli %add3A, %mul3A_1 : i32
    "tpu.region"() ({
      %run_scoped3A = tpu.sem_alloc : memref<!tpu.dma_semaphore, #tpu.memory_space<semaphore_mem>>
      %dma_start3A_285 = arith.constant 0 : i32
      %dma_start3A_286 = arith.constant 0 : i32
      %dma_start3A_287 = tpu.memref_slice %arg2[%add3A, %dma_start3A_285, %dma_start3A_286] : memref<32x224x128xi32, #tpu.memory_space<hbm>> -> memref<1x224x128xi32, #tpu.memory_space<hbm>>
      %dma_start3A_288 = tpu.memref_squeeze %dma_start3A_287 : memref<1x224x128xi32, #tpu.memory_space<hbm>> -> memref<224x128xi32, #tpu.memory_space<hbm>>
      %dma_start3A_289 = arith.constant 0 : i32
      %dma_start3A_290 = arith.constant 0 : i32
      %dma_start3A_291 = tpu.memref_slice %arg2[%add3A, %dma_start3A_289, %dma_start3A_290] : memref<32x224x128xi32, #tpu.memory_space<hbm>> -> memref<1x224x128xi32, #tpu.memory_space<hbm>>
      %dma_start3A_292 = tpu.memref_squeeze %dma_start3A_291 : memref<1x224x128xi32, #tpu.memory_space<hbm>> -> memref<224x128xi32, #tpu.memory_space<hbm>>
      tpu.enqueue_dma source(%dma_start3A_292 : memref<224x128xi32, #tpu.memory_space<hbm>>) target(%arg5 : memref<224x128xi32, #tpu.memory_space<vmem>>) target_semaphore(%run_scoped3A : memref<!tpu.dma_semaphore, #tpu.memory_space<semaphore_mem>>)
      %dma_wait3A_293 = arith.constant 0 : i32
      %dma_wait3A_294 = arith.constant 0 : i32
      %dma_wait3A_295 = tpu.memref_slice %arg2[%add3A, %dma_wait3A_293, %dma_wait3A_294] : memref<32x224x128xi32, #tpu.memory_space<hbm>> -> memref<1x224x128xi32, #tpu.memory_space<hbm>>
      %dma_wait3A_296 = tpu.memref_squeeze %dma_wait3A_295 : memref<1x224x128xi32, #tpu.memory_space<hbm>> -> memref<224x128xi32, #tpu.memory_space<hbm>>
      %dma_wait3A_297 = arith.constant 0 : i32
      %dma_wait3A_298 = arith.constant 0 : i32
      %dma_wait3A_299 = tpu.memref_slice %arg2[%add3A, %dma_wait3A_297, %dma_wait3A_298] : memref<32x224x128xi32, #tpu.memory_space<hbm>> -> memref<1x224x128xi32, #tpu.memory_space<hbm>>
      %dma_wait3A_300 = tpu.memref_squeeze %dma_wait3A_299 : memref<1x224x128xi32, #tpu.memory_space<hbm>> -> memref<224x128xi32, #tpu.memory_space<hbm>>
      tpu.wait_dma2 semaphore(%run_scoped3A : memref<!tpu.dma_semaphore, #tpu.memory_space<semaphore_mem>>) src(%dma_wait3A_300 : memref<224x128xi32, #tpu.memory_space<hbm>>) dst(%arg5 : memref<224x128xi32, #tpu.memory_space<vmem>>)
      tpu.yield
    }) : () -> ()
    %dma_start3A = arith.constant 0 : i32
    %dma_start3A_3 = arith.constant 0 : i32
    %dma_start3A_4 = arith.constant 0 : i32
    %dma_start3A_5 = arith.constant 0 : i32
    %dma_start3A_6 = arith.constant 0 : i32
    %dma_start3A_7 = tpu.memref_slice %arg6[%dma_start3A_3, %dma_start3A_5, %dma_start3A_6] : memref<4x128x128xf32, #tpu.memory_space<vmem>> -> memref<1x128x128xf32, #tpu.memory_space<vmem>>
    %dma_start3A_8 = tpu.memref_squeeze %dma_start3A_7 : memref<1x128x128xf32, #tpu.memory_space<vmem>> -> memref<128x128xf32, #tpu.memory_space<vmem>>
    %dma_start3A_9 = arith.constant 0 : i32
    %dma_start3A_10 = arith.constant 0 : i32
    %dma_start3A_11 = tpu.memref_slice %dma_start3A_8[%dma_start3A_9, %dma_start3A_10] : memref<128x128xf32, #tpu.memory_space<vmem>> -> memref<128x128xf32, #tpu.memory_space<vmem>>
    %dma_start3A_12 = arith.constant 0 : i32
    %dma_start3A_13 = tpu.memref_slice %arg5[%dma_start3A, %dma_start3A_12] : memref<224x128xi32, #tpu.memory_space<vmem>> -> memref<1x128xi32, #tpu.memory_space<vmem>>
    %dma_start3A_14 = tpu.memref_squeeze %dma_start3A_13 : memref<1x128xi32, #tpu.memory_space<vmem>> -> memref<128xi32, #tpu.memory_space<vmem>>
    %dma_start3A_15 = arith.constant 0 : i32
    %dma_start3A_16 = arith.constant 0 : i32
    %dma_start3A_17 = tpu.memref_slice %arg3[%dma_start3A_15, %dma_start3A_16] : memref<1000000x128xf32, #tpu.memory_space<hbm>> -> memref<1000000x128xf32, #tpu.memory_space<hbm>>
    %dma_start3A_18 = tpu.memref_slice %arg7[%dma_start3A_4] : memref<4x!tpu.dma_semaphore, #tpu.memory_space<semaphore_mem>> -> memref<1x!tpu.dma_semaphore, #tpu.memory_space<semaphore_mem>>
    %dma_start3A_19 = tpu.memref_squeeze %dma_start3A_18 : memref<1x!tpu.dma_semaphore, #tpu.memory_space<semaphore_mem>> -> memref<!tpu.dma_semaphore, #tpu.memory_space<semaphore_mem>>
    tpu.enqueue_indirect_dma source(%dma_start3A_17 : memref<1000000x128xf32, #tpu.memory_space<hbm>>) target(%dma_start3A_11 : memref<128x128xf32, #tpu.memory_space<vmem>>) offsets(%dma_start3A_14 : memref<128xi32, #tpu.memory_space<vmem>>) semaphore(%dma_start3A_19 : memref<!tpu.dma_semaphore, #tpu.memory_space<semaphore_mem>>)
    %dma_start3A_20 = arith.constant 1 : i32
    %dma_start3A_21 = arith.constant 1 : i32
    %dma_start3A_22 = arith.constant 1 : i32
    %dma_start3A_23 = arith.constant 0 : i32
    %dma_start3A_24 = arith.constant 0 : i32
    %dma_start3A_25 = tpu.memref_slice %arg6[%dma_start3A_21, %dma_start3A_23, %dma_start3A_24] : memref<4x128x128xf32, #tpu.memory_space<vmem>> -> memref<1x128x128xf32, #tpu.memory_space<vmem>>
    %dma_start3A_26 = tpu.memref_squeeze %dma_start3A_25 : memref<1x128x128xf32, #tpu.memory_space<vmem>> -> memref<128x128xf32, #tpu.memory_space<vmem>>
    %dma_start3A_27 = arith.constant 0 : i32
    %dma_start3A_28 = arith.constant 0 : i32
    %dma_start3A_29 = tpu.memref_slice %dma_start3A_26[%dma_start3A_27, %dma_start3A_28] : memref<128x128xf32, #tpu.memory_space<vmem>> -> memref<128x128xf32, #tpu.memory_space<vmem>>
    %dma_start3A_30 = arith.constant 0 : i32
    %dma_start3A_31 = tpu.memref_slice %arg5[%dma_start3A_20, %dma_start3A_30] : memref<224x128xi32, #tpu.memory_space<vmem>> -> memref<1x128xi32, #tpu.memory_space<vmem>>
    %dma_start3A_32 = tpu.memref_squeeze %dma_start3A_31 : memref<1x128xi32, #tpu.memory_space<vmem>> -> memref<128xi32, #tpu.memory_space<vmem>>
    %dma_start3A_33 = arith.constant 0 : i32
    %dma_start3A_34 = arith.constant 0 : i32
    %dma_start3A_35 = tpu.memref_slice %arg3[%dma_start3A_33, %dma_start3A_34] : memref<1000000x128xf32, #tpu.memory_space<hbm>> -> memref<1000000x128xf32, #tpu.memory_space<hbm>>
    %dma_start3A_36 = tpu.memref_slice %arg7[%dma_start3A_22] : memref<4x!tpu.dma_semaphore, #tpu.memory_space<semaphore_mem>> -> memref<1x!tpu.dma_semaphore, #tpu.memory_space<semaphore_mem>>
    %dma_start3A_37 = tpu.memref_squeeze %dma_start3A_36 : memref<1x!tpu.dma_semaphore, #tpu.memory_space<semaphore_mem>> -> memref<!tpu.dma_semaphore, #tpu.memory_space<semaphore_mem>>
    tpu.enqueue_indirect_dma source(%dma_start3A_35 : memref<1000000x128xf32, #tpu.memory_space<hbm>>) target(%dma_start3A_29 : memref<128x128xf32, #tpu.memory_space<vmem>>) offsets(%dma_start3A_32 : memref<128xi32, #tpu.memory_space<vmem>>) semaphore(%dma_start3A_37 : memref<!tpu.dma_semaphore, #tpu.memory_space<semaphore_mem>>)
    %dma_start3A_38 = arith.constant 2 : i32
    %dma_start3A_39 = arith.constant 2 : i32
    %dma_start3A_40 = arith.constant 2 : i32
    %dma_start3A_41 = arith.constant 0 : i32
    %dma_start3A_42 = arith.constant 0 : i32
    %dma_start3A_43 = tpu.memref_slice %arg6[%dma_start3A_39, %dma_start3A_41, %dma_start3A_42] : memref<4x128x128xf32, #tpu.memory_space<vmem>> -> memref<1x128x128xf32, #tpu.memory_space<vmem>>
    %dma_start3A_44 = tpu.memref_squeeze %dma_start3A_43 : memref<1x128x128xf32, #tpu.memory_space<vmem>> -> memref<128x128xf32, #tpu.memory_space<vmem>>
    %dma_start3A_45 = arith.constant 0 : i32
    %dma_start3A_46 = arith.constant 0 : i32
    %dma_start3A_47 = tpu.memref_slice %dma_start3A_44[%dma_start3A_45, %dma_start3A_46] : memref<128x128xf32, #tpu.memory_space<vmem>> -> memref<128x128xf32, #tpu.memory_space<vmem>>
    %dma_start3A_48 = arith.constant 0 : i32
    %dma_start3A_49 = tpu.memref_slice %arg5[%dma_start3A_38, %dma_start3A_48] : memref<224x128xi32, #tpu.memory_space<vmem>> -> memref<1x128xi32, #tpu.memory_space<vmem>>
    %dma_start3A_50 = tpu.memref_squeeze %dma_start3A_49 : memref<1x128xi32, #tpu.memory_space<vmem>> -> memref<128xi32, #tpu.memory_space<vmem>>
    %dma_start3A_51 = arith.constant 0 : i32
    %dma_start3A_52 = arith.constant 0 : i32
    %dma_start3A_53 = tpu.memref_slice %arg3[%dma_start3A_51, %dma_start3A_52] : memref<1000000x128xf32, #tpu.memory_space<hbm>> -> memref<1000000x128xf32, #tpu.memory_space<hbm>>
    %dma_start3A_54 = tpu.memref_slice %arg7[%dma_start3A_40] : memref<4x!tpu.dma_semaphore, #tpu.memory_space<semaphore_mem>> -> memref<1x!tpu.dma_semaphore, #tpu.memory_space<semaphore_mem>>
    %dma_start3A_55 = tpu.memref_squeeze %dma_start3A_54 : memref<1x!tpu.dma_semaphore, #tpu.memory_space<semaphore_mem>> -> memref<!tpu.dma_semaphore, #tpu.memory_space<semaphore_mem>>
    tpu.enqueue_indirect_dma source(%dma_start3A_53 : memref<1000000x128xf32, #tpu.memory_space<hbm>>) target(%dma_start3A_47 : memref<128x128xf32, #tpu.memory_space<vmem>>) offsets(%dma_start3A_50 : memref<128xi32, #tpu.memory_space<vmem>>) semaphore(%dma_start3A_55 : memref<!tpu.dma_semaphore, #tpu.memory_space<semaphore_mem>>)
    %dma_start3A_56 = arith.constant 3 : i32
    %dma_start3A_57 = arith.constant 3 : i32
    %dma_start3A_58 = arith.constant 3 : i32
    %dma_start3A_59 = arith.constant 0 : i32
    %dma_start3A_60 = arith.constant 0 : i32
    %dma_start3A_61 = tpu.memref_slice %arg6[%dma_start3A_57, %dma_start3A_59, %dma_start3A_60] : memref<4x128x128xf32, #tpu.memory_space<vmem>> -> memref<1x128x128xf32, #tpu.memory_space<vmem>>
    %dma_start3A_62 = tpu.memref_squeeze %dma_start3A_61 : memref<1x128x128xf32, #tpu.memory_space<vmem>> -> memref<128x128xf32, #tpu.memory_space<vmem>>
    %dma_start3A_63 = arith.constant 0 : i32
    %dma_start3A_64 = arith.constant 0 : i32
    %dma_start3A_65 = tpu.memref_slice %dma_start3A_62[%dma_start3A_63, %dma_start3A_64] : memref<128x128xf32, #tpu.memory_space<vmem>> -> memref<128x128xf32, #tpu.memory_space<vmem>>
    %dma_start3A_66 = arith.constant 0 : i32
    %dma_start3A_67 = tpu.memref_slice %arg5[%dma_start3A_56, %dma_start3A_66] : memref<224x128xi32, #tpu.memory_space<vmem>> -> memref<1x128xi32, #tpu.memory_space<vmem>>
    %dma_start3A_68 = tpu.memref_squeeze %dma_start3A_67 : memref<1x128xi32, #tpu.memory_space<vmem>> -> memref<128xi32, #tpu.memory_space<vmem>>
    %dma_start3A_69 = arith.constant 0 : i32
    %dma_start3A_70 = arith.constant 0 : i32
    %dma_start3A_71 = tpu.memref_slice %arg3[%dma_start3A_69, %dma_start3A_70] : memref<1000000x128xf32, #tpu.memory_space<hbm>> -> memref<1000000x128xf32, #tpu.memory_space<hbm>>
    %dma_start3A_72 = tpu.memref_slice %arg7[%dma_start3A_58] : memref<4x!tpu.dma_semaphore, #tpu.memory_space<semaphore_mem>> -> memref<1x!tpu.dma_semaphore, #tpu.memory_space<semaphore_mem>>
    %dma_start3A_73 = tpu.memref_squeeze %dma_start3A_72 : memref<1x!tpu.dma_semaphore, #tpu.memory_space<semaphore_mem>> -> memref<!tpu.dma_semaphore, #tpu.memory_space<semaphore_mem>>
    tpu.enqueue_indirect_dma source(%dma_start3A_71 : memref<1000000x128xf32, #tpu.memory_space<hbm>>) target(%dma_start3A_65 : memref<128x128xf32, #tpu.memory_space<vmem>>) offsets(%dma_start3A_68 : memref<128xi32, #tpu.memory_space<vmem>>) semaphore(%dma_start3A_73 : memref<!tpu.dma_semaphore, #tpu.memory_space<semaphore_mem>>)
    %scan3A = arith.constant 0 : i32
    %scan3A_74 = arith.constant 55 : i32
    %scan3A_75 = arith.addi %scan3A, %scan3A_74 : i32
    %scan3A_76 = arith.constant 1 : i32
    scf.for %scan3A_285 = %scan3A to %scan3A_75 step %scan3A_76  : i32 {
      %mul3A_286 = arith.constant 4 : i32
      %mul3A_287 = arith.muli %scan3A_285, %mul3A_286 : i32
      %add3A_288 = arith.constant 0 : i32
      %add3A_289 = arith.addi %add3A_288, %mul3A_287 : i32
      %add3A_290 = arith.constant 0 : i32
      %add3A_291 = arith.addi %add3A_289, %add3A_290 : i32
      %dma_wait3A_292 = arith.constant 0 : i32
      %dma_wait3A_293 = arith.constant 0 : i32
      %dma_wait3A_294 = arith.constant 0 : i32
      %dma_wait3A_295 = arith.constant 0 : i32
      %dma_wait3A_296 = tpu.memref_slice %arg6[%dma_wait3A_292, %dma_wait3A_294, %dma_wait3A_295] : memref<4x128x128xf32, #tpu.memory_space<vmem>> -> memref<1x128x128xf32, #tpu.memory_space<vmem>>
      %dma_wait3A_297 = tpu.memref_squeeze %dma_wait3A_296 : memref<1x128x128xf32, #tpu.memory_space<vmem>> -> memref<128x128xf32, #tpu.memory_space<vmem>>
      %dma_wait3A_298 = arith.constant 0 : i32
      %dma_wait3A_299 = arith.constant 0 : i32
      %dma_wait3A_300 = tpu.memref_slice %arg3[%dma_wait3A_298, %dma_wait3A_299] : memref<1000000x128xf32, #tpu.memory_space<hbm>> -> memref<128x128xf32, #tpu.memory_space<hbm>>
      %dma_wait3A_301 = tpu.memref_slice %arg7[%dma_wait3A_293] : memref<4x!tpu.dma_semaphore, #tpu.memory_space<semaphore_mem>> -> memref<1x!tpu.dma_semaphore, #tpu.memory_space<semaphore_mem>>
      %dma_wait3A_302 = tpu.memref_squeeze %dma_wait3A_301 : memref<1x!tpu.dma_semaphore, #tpu.memory_space<semaphore_mem>> -> memref<!tpu.dma_semaphore, #tpu.memory_space<semaphore_mem>>
      %dma_wait3A_303 = arith.constant 0 : i32
      %dma_wait3A_304 = arith.constant 0 : i32
      %dma_wait3A_305 = tpu.memref_slice %arg6[%dma_wait3A_292, %dma_wait3A_303, %dma_wait3A_304] : memref<4x128x128xf32, #tpu.memory_space<vmem>> -> memref<1x128x128xf32, #tpu.memory_space<vmem>>
      %dma_wait3A_306 = tpu.memref_squeeze %dma_wait3A_305 : memref<1x128x128xf32, #tpu.memory_space<vmem>> -> memref<128x128xf32, #tpu.memory_space<vmem>>
      %dma_wait3A_307 = arith.constant 0 : i32
      %dma_wait3A_308 = arith.constant 0 : i32
      %dma_wait3A_309 = tpu.memref_slice %arg3[%dma_wait3A_307, %dma_wait3A_308] : memref<1000000x128xf32, #tpu.memory_space<hbm>> -> memref<128x128xf32, #tpu.memory_space<hbm>>
      tpu.wait_dma2 semaphore(%dma_wait3A_302 : memref<!tpu.dma_semaphore, #tpu.memory_space<semaphore_mem>>) src(%dma_wait3A_309 : memref<128x128xf32, #tpu.memory_space<hbm>>) dst(%dma_wait3A_306 : memref<128x128xf32, #tpu.memory_space<vmem>>)
      %mul3A_310 = arith.constant 128 : i32
      %mul3A_311 = arith.muli %add3A_291, %mul3A_310 : i32
      %add3A_312 = arith.addi %mul3A_2, %mul3A_311 : i32
      %dma_start3A_313 = arith.constant 0 : i32
      %dma_start3A_314 = arith.constant 0 : i32
      %dma_start3A_315 = arith.constant 0 : i32
      %dma_start3A_316 = arith.constant 0 : i32
      %dma_start3A_317 = tpu.memref_slice %arg6[%dma_start3A_313, %dma_start3A_315, %dma_start3A_316] : memref<4x128x128xf32, #tpu.memory_space<vmem>> -> memref<1x128x128xf32, #tpu.memory_space<vmem>>
      %dma_start3A_318 = tpu.memref_squeeze %dma_start3A_317 : memref<1x128x128xf32, #tpu.memory_space<vmem>> -> memref<128x128xf32, #tpu.memory_space<vmem>>
      %dma_start3A_319 = arith.constant 0 : i32
      %dma_start3A_320 = tpu.memref_slice %arg4[%add3A_312, %dma_start3A_319] : memref<917504x128xf32, #tpu.memory_space<hbm>> -> memref<128x128xf32, #tpu.memory_space<hbm>>
      %dma_start3A_321 = tpu.memref_slice %arg8[%dma_start3A_314] : memref<4x!tpu.dma_semaphore, #tpu.memory_space<semaphore_mem>> -> memref<1x!tpu.dma_semaphore, #tpu.memory_space<semaphore_mem>>
      %dma_start3A_322 = tpu.memref_squeeze %dma_start3A_321 : memref<1x!tpu.dma_semaphore, #tpu.memory_space<semaphore_mem>> -> memref<!tpu.dma_semaphore, #tpu.memory_space<semaphore_mem>>
      %dma_start3A_323 = arith.constant 0 : i32
      %dma_start3A_324 = tpu.memref_slice %arg4[%add3A_312, %dma_start3A_323] : memref<917504x128xf32, #tpu.memory_space<hbm>> -> memref<128x128xf32, #tpu.memory_space<hbm>>
      %dma_start3A_325 = arith.constant 0 : i32
      %dma_start3A_326 = arith.constant 0 : i32
      %dma_start3A_327 = tpu.memref_slice %arg6[%dma_start3A_313, %dma_start3A_325, %dma_start3A_326] : memref<4x128x128xf32, #tpu.memory_space<vmem>> -> memref<1x128x128xf32, #tpu.memory_space<vmem>>
      %dma_start3A_328 = tpu.memref_squeeze %dma_start3A_327 : memref<1x128x128xf32, #tpu.memory_space<vmem>> -> memref<128x128xf32, #tpu.memory_space<vmem>>
      tpu.enqueue_dma source(%dma_start3A_328 : memref<128x128xf32, #tpu.memory_space<vmem>>) target(%dma_start3A_324 : memref<128x128xf32, #tpu.memory_space<hbm>>) target_semaphore(%dma_start3A_322 : memref<!tpu.dma_semaphore, #tpu.memory_space<semaphore_mem>>)
      %dma_wait3A_329 = arith.constant 0 : i32
      %dma_wait3A_330 = arith.constant 0 : i32
      %dma_wait3A_331 = arith.constant 0 : i32
      %dma_wait3A_332 = arith.constant 0 : i32
      %dma_wait3A_333 = tpu.memref_slice %arg6[%dma_wait3A_329, %dma_wait3A_331, %dma_wait3A_332] : memref<4x128x128xf32, #tpu.memory_space<vmem>> -> memref<1x128x128xf32, #tpu.memory_space<vmem>>
      %dma_wait3A_334 = tpu.memref_squeeze %dma_wait3A_333 : memref<1x128x128xf32, #tpu.memory_space<vmem>> -> memref<128x128xf32, #tpu.memory_space<vmem>>
      %dma_wait3A_335 = arith.constant 0 : i32
      %dma_wait3A_336 = tpu.memref_slice %arg4[%mul3A_2, %dma_wait3A_335] : memref<917504x128xf32, #tpu.memory_space<hbm>> -> memref<128x128xf32, #tpu.memory_space<hbm>>
      %dma_wait3A_337 = tpu.memref_slice %arg8[%dma_wait3A_330] : memref<4x!tpu.dma_semaphore, #tpu.memory_space<semaphore_mem>> -> memref<1x!tpu.dma_semaphore, #tpu.memory_space<semaphore_mem>>
      %dma_wait3A_338 = tpu.memref_squeeze %dma_wait3A_337 : memref<1x!tpu.dma_semaphore, #tpu.memory_space<semaphore_mem>> -> memref<!tpu.dma_semaphore, #tpu.memory_space<semaphore_mem>>
      %dma_wait3A_339 = arith.constant 0 : i32
      %dma_wait3A_340 = tpu.memref_slice %arg4[%mul3A_2, %dma_wait3A_339] : memref<917504x128xf32, #tpu.memory_space<hbm>> -> memref<128x128xf32, #tpu.memory_space<hbm>>
      %dma_wait3A_341 = arith.constant 0 : i32
      %dma_wait3A_342 = arith.constant 0 : i32
      %dma_wait3A_343 = tpu.memref_slice %arg6[%dma_wait3A_329, %dma_wait3A_341, %dma_wait3A_342] : memref<4x128x128xf32, #tpu.memory_space<vmem>> -> memref<1x128x128xf32, #tpu.memory_space<vmem>>
      %dma_wait3A_344 = tpu.memref_squeeze %dma_wait3A_343 : memref<1x128x128xf32, #tpu.memory_space<vmem>> -> memref<128x128xf32, #tpu.memory_space<vmem>>
      tpu.wait_dma2 semaphore(%dma_wait3A_338 : memref<!tpu.dma_semaphore, #tpu.memory_space<semaphore_mem>>) src(%dma_wait3A_344 : memref<128x128xf32, #tpu.memory_space<vmem>>) dst(%dma_wait3A_340 : memref<128x128xf32, #tpu.memory_space<hbm>>)
      %add3A_345 = arith.constant 4 : i32
      %add3A_346 = arith.addi %add3A_291, %add3A_345 : i32
      %mul3A_347 = arith.constant 1 : i32
      %mul3A_348 = arith.muli %add3A_346, %mul3A_347 : i32
      %add3A_349 = arith.constant 0 : i32
      %add3A_350 = arith.addi %mul3A_348, %add3A_349 : i32
      %dma_start3A_351 = arith.constant 0 : i32
      %dma_start3A_352 = arith.constant 0 : i32
      %dma_start3A_353 = arith.constant 0 : i32
      %dma_start3A_354 = arith.constant 0 : i32
      %dma_start3A_355 = tpu.memref_slice %arg6[%dma_start3A_351, %dma_start3A_353, %dma_start3A_354] : memref<4x128x128xf32, #tpu.memory_space<vmem>> -> memref<1x128x128xf32, #tpu.memory_space<vmem>>
      %dma_start3A_356 = tpu.memref_squeeze %dma_start3A_355 : memref<1x128x128xf32, #tpu.memory_space<vmem>> -> memref<128x128xf32, #tpu.memory_space<vmem>>
      %dma_start3A_357 = arith.constant 0 : i32
      %dma_start3A_358 = arith.constant 0 : i32
      %dma_start3A_359 = tpu.memref_slice %dma_start3A_356[%dma_start3A_357, %dma_start3A_358] : memref<128x128xf32, #tpu.memory_space<vmem>> -> memref<128x128xf32, #tpu.memory_space<vmem>>
      %dma_start3A_360 = arith.constant 0 : i32
      %dma_start3A_361 = tpu.memref_slice %arg5[%add3A_350, %dma_start3A_360] : memref<224x128xi32, #tpu.memory_space<vmem>> -> memref<1x128xi32, #tpu.memory_space<vmem>>
      %dma_start3A_362 = tpu.memref_squeeze %dma_start3A_361 : memref<1x128xi32, #tpu.memory_space<vmem>> -> memref<128xi32, #tpu.memory_space<vmem>>
      %dma_start3A_363 = arith.constant 0 : i32
      %dma_start3A_364 = arith.constant 0 : i32
      %dma_start3A_365 = tpu.memref_slice %arg3[%dma_start3A_363, %dma_start3A_364] : memref<1000000x128xf32, #tpu.memory_space<hbm>> -> memref<1000000x128xf32, #tpu.memory_space<hbm>>
      %dma_start3A_366 = tpu.memref_slice %arg7[%dma_start3A_352] : memref<4x!tpu.dma_semaphore, #tpu.memory_space<semaphore_mem>> -> memref<1x!tpu.dma_semaphore, #tpu.memory_space<semaphore_mem>>
      %dma_start3A_367 = tpu.memref_squeeze %dma_start3A_366 : memref<1x!tpu.dma_semaphore, #tpu.memory_space<semaphore_mem>> -> memref<!tpu.dma_semaphore, #tpu.memory_space<semaphore_mem>>
      tpu.enqueue_indirect_dma source(%dma_start3A_365 : memref<1000000x128xf32, #tpu.memory_space<hbm>>) target(%dma_start3A_359 : memref<128x128xf32, #tpu.memory_space<vmem>>) offsets(%dma_start3A_362 : memref<128xi32, #tpu.memory_space<vmem>>) semaphore(%dma_start3A_367 : memref<!tpu.dma_semaphore, #tpu.memory_space<semaphore_mem>>)
      %add3A_368 = arith.constant 1 : i32
      %add3A_369 = arith.addi %add3A_289, %add3A_368 : i32
      %dma_wait3A_370 = arith.constant 1 : i32
      %dma_wait3A_371 = arith.constant 1 : i32
      %dma_wait3A_372 = arith.constant 0 : i32
      %dma_wait3A_373 = arith.constant 0 : i32
      %dma_wait3A_374 = tpu.memref_slice %arg6[%dma_wait3A_370, %dma_wait3A_372, %dma_wait3A_373] : memref<4x128x128xf32, #tpu.memory_space<vmem>> -> memref<1x128x128xf32, #tpu.memory_space<vmem>>
      %dma_wait3A_375 = tpu.memref_squeeze %dma_wait3A_374 : memref<1x128x128xf32, #tpu.memory_space<vmem>> -> memref<128x128xf32, #tpu.memory_space<vmem>>
      %dma_wait3A_376 = arith.constant 0 : i32
      %dma_wait3A_377 = arith.constant 0 : i32
      %dma_wait3A_378 = tpu.memref_slice %arg3[%dma_wait3A_376, %dma_wait3A_377] : memref<1000000x128xf32, #tpu.memory_space<hbm>> -> memref<128x128xf32, #tpu.memory_space<hbm>>
      %dma_wait3A_379 = tpu.memref_slice %arg7[%dma_wait3A_371] : memref<4x!tpu.dma_semaphore, #tpu.memory_space<semaphore_mem>> -> memref<1x!tpu.dma_semaphore, #tpu.memory_space<semaphore_mem>>
      %dma_wait3A_380 = tpu.memref_squeeze %dma_wait3A_379 : memref<1x!tpu.dma_semaphore, #tpu.memory_space<semaphore_mem>> -> memref<!tpu.dma_semaphore, #tpu.memory_space<semaphore_mem>>
      %dma_wait3A_381 = arith.constant 0 : i32
      %dma_wait3A_382 = arith.constant 0 : i32
      %dma_wait3A_383 = tpu.memref_slice %arg6[%dma_wait3A_370, %dma_wait3A_381, %dma_wait3A_382] : memref<4x128x128xf32, #tpu.memory_space<vmem>> -> memref<1x128x128xf32, #tpu.memory_space<vmem>>
      %dma_wait3A_384 = tpu.memref_squeeze %dma_wait3A_383 : memref<1x128x128xf32, #tpu.memory_space<vmem>> -> memref<128x128xf32, #tpu.memory_space<vmem>>
      %dma_wait3A_385 = arith.constant 0 : i32
      %dma_wait3A_386 = arith.constant 0 : i32
      %dma_wait3A_387 = tpu.memref_slice %arg3[%dma_wait3A_385, %dma_wait3A_386] : memref<1000000x128xf32, #tpu.memory_space<hbm>> -> memref<128x128xf32, #tpu.memory_space<hbm>>
      tpu.wait_dma2 semaphore(%dma_wait3A_380 : memref<!tpu.dma_semaphore, #tpu.memory_space<semaphore_mem>>) src(%dma_wait3A_387 : memref<128x128xf32, #tpu.memory_space<hbm>>) dst(%dma_wait3A_384 : memref<128x128xf32, #tpu.memory_space<vmem>>)
      %mul3A_388 = arith.constant 128 : i32
      %mul3A_389 = arith.muli %add3A_369, %mul3A_388 : i32
      %add3A_390 = arith.addi %mul3A_2, %mul3A_389 : i32
      %dma_start3A_391 = arith.constant 1 : i32
      %dma_start3A_392 = arith.constant 1 : i32
      %dma_start3A_393 = arith.constant 0 : i32
      %dma_start3A_394 = arith.constant 0 : i32
      %dma_start3A_395 = tpu.memref_slice %arg6[%dma_start3A_391, %dma_start3A_393, %dma_start3A_394] : memref<4x128x128xf32, #tpu.memory_space<vmem>> -> memref<1x128x128xf32, #tpu.memory_space<vmem>>
      %dma_start3A_396 = tpu.memref_squeeze %dma_start3A_395 : memref<1x128x128xf32, #tpu.memory_space<vmem>> -> memref<128x128xf32, #tpu.memory_space<vmem>>
      %dma_start3A_397 = arith.constant 0 : i32
      %dma_start3A_398 = tpu.memref_slice %arg4[%add3A_390, %dma_start3A_397] : memref<917504x128xf32, #tpu.memory_space<hbm>> -> memref<128x128xf32, #tpu.memory_space<hbm>>
      %dma_start3A_399 = tpu.memref_slice %arg8[%dma_start3A_392] : memref<4x!tpu.dma_semaphore, #tpu.memory_space<semaphore_mem>> -> memref<1x!tpu.dma_semaphore, #tpu.memory_space<semaphore_mem>>
      %dma_start3A_400 = tpu.memref_squeeze %dma_start3A_399 : memref<1x!tpu.dma_semaphore, #tpu.memory_space<semaphore_mem>> -> memref<!tpu.dma_semaphore, #tpu.memory_space<semaphore_mem>>
      %dma_start3A_401 = arith.constant 0 : i32
      %dma_start3A_402 = tpu.memref_slice %arg4[%add3A_390, %dma_start3A_401] : memref<917504x128xf32, #tpu.memory_space<hbm>> -> memref<128x128xf32, #tpu.memory_space<hbm>>
      %dma_start3A_403 = arith.constant 0 : i32
      %dma_start3A_404 = arith.constant 0 : i32
      %dma_start3A_405 = tpu.memref_slice %arg6[%dma_start3A_391, %dma_start3A_403, %dma_start3A_404] : memref<4x128x128xf32, #tpu.memory_space<vmem>> -> memref<1x128x128xf32, #tpu.memory_space<vmem>>
      %dma_start3A_406 = tpu.memref_squeeze %dma_start3A_405 : memref<1x128x128xf32, #tpu.memory_space<vmem>> -> memref<128x128xf32, #tpu.memory_space<vmem>>
      tpu.enqueue_dma source(%dma_start3A_406 : memref<128x128xf32, #tpu.memory_space<vmem>>) target(%dma_start3A_402 : memref<128x128xf32, #tpu.memory_space<hbm>>) target_semaphore(%dma_start3A_400 : memref<!tpu.dma_semaphore, #tpu.memory_space<semaphore_mem>>)
      %dma_wait3A_407 = arith.constant 1 : i32
      %dma_wait3A_408 = arith.constant 1 : i32
      %dma_wait3A_409 = arith.constant 0 : i32
      %dma_wait3A_410 = arith.constant 0 : i32
      %dma_wait3A_411 = tpu.memref_slice %arg6[%dma_wait3A_407, %dma_wait3A_409, %dma_wait3A_410] : memref<4x128x128xf32, #tpu.memory_space<vmem>> -> memref<1x128x128xf32, #tpu.memory_space<vmem>>
      %dma_wait3A_412 = tpu.memref_squeeze %dma_wait3A_411 : memref<1x128x128xf32, #tpu.memory_space<vmem>> -> memref<128x128xf32, #tpu.memory_space<vmem>>
      %dma_wait3A_413 = arith.constant 0 : i32
      %dma_wait3A_414 = tpu.memref_slice %arg4[%mul3A_2, %dma_wait3A_413] : memref<917504x128xf32, #tpu.memory_space<hbm>> -> memref<128x128xf32, #tpu.memory_space<hbm>>
      %dma_wait3A_415 = tpu.memref_slice %arg8[%dma_wait3A_408] : memref<4x!tpu.dma_semaphore, #tpu.memory_space<semaphore_mem>> -> memref<1x!tpu.dma_semaphore, #tpu.memory_space<semaphore_mem>>
      %dma_wait3A_416 = tpu.memref_squeeze %dma_wait3A_415 : memref<1x!tpu.dma_semaphore, #tpu.memory_space<semaphore_mem>> -> memref<!tpu.dma_semaphore, #tpu.memory_space<semaphore_mem>>
      %dma_wait3A_417 = arith.constant 0 : i32
      %dma_wait3A_418 = tpu.memref_slice %arg4[%mul3A_2, %dma_wait3A_417] : memref<917504x128xf32, #tpu.memory_space<hbm>> -> memref<128x128xf32, #tpu.memory_space<hbm>>
      %dma_wait3A_419 = arith.constant 0 : i32
      %dma_wait3A_420 = arith.constant 0 : i32
      %dma_wait3A_421 = tpu.memref_slice %arg6[%dma_wait3A_407, %dma_wait3A_419, %dma_wait3A_420] : memref<4x128x128xf32, #tpu.memory_space<vmem>> -> memref<1x128x128xf32, #tpu.memory_space<vmem>>
      %dma_wait3A_422 = tpu.memref_squeeze %dma_wait3A_421 : memref<1x128x128xf32, #tpu.memory_space<vmem>> -> memref<128x128xf32, #tpu.memory_space<vmem>>
      tpu.wait_dma2 semaphore(%dma_wait3A_416 : memref<!tpu.dma_semaphore, #tpu.memory_space<semaphore_mem>>) src(%dma_wait3A_422 : memref<128x128xf32, #tpu.memory_space<vmem>>) dst(%dma_wait3A_418 : memref<128x128xf32, #tpu.memory_space<hbm>>)
      %add3A_423 = arith.constant 4 : i32
      %add3A_424 = arith.addi %add3A_369, %add3A_423 : i32
      %mul3A_425 = arith.constant 1 : i32
      %mul3A_426 = arith.muli %add3A_424, %mul3A_425 : i32
      %add3A_427 = arith.constant 0 : i32
      %add3A_428 = arith.addi %mul3A_426, %add3A_427 : i32
      %dma_start3A_429 = arith.constant 1 : i32
      %dma_start3A_430 = arith.constant 1 : i32
      %dma_start3A_431 = arith.constant 0 : i32
      %dma_start3A_432 = arith.constant 0 : i32
      %dma_start3A_433 = tpu.memref_slice %arg6[%dma_start3A_429, %dma_start3A_431, %dma_start3A_432] : memref<4x128x128xf32, #tpu.memory_space<vmem>> -> memref<1x128x128xf32, #tpu.memory_space<vmem>>
      %dma_start3A_434 = tpu.memref_squeeze %dma_start3A_433 : memref<1x128x128xf32, #tpu.memory_space<vmem>> -> memref<128x128xf32, #tpu.memory_space<vmem>>
      %dma_start3A_435 = arith.constant 0 : i32
      %dma_start3A_436 = arith.constant 0 : i32
      %dma_start3A_437 = tpu.memref_slice %dma_start3A_434[%dma_start3A_435, %dma_start3A_436] : memref<128x128xf32, #tpu.memory_space<vmem>> -> memref<128x128xf32, #tpu.memory_space<vmem>>
      %dma_start3A_438 = arith.constant 0 : i32
      %dma_start3A_439 = tpu.memref_slice %arg5[%add3A_428, %dma_start3A_438] : memref<224x128xi32, #tpu.memory_space<vmem>> -> memref<1x128xi32, #tpu.memory_space<vmem>>
      %dma_start3A_440 = tpu.memref_squeeze %dma_start3A_439 : memref<1x128xi32, #tpu.memory_space<vmem>> -> memref<128xi32, #tpu.memory_space<vmem>>
      %dma_start3A_441 = arith.constant 0 : i32
      %dma_start3A_442 = arith.constant 0 : i32
      %dma_start3A_443 = tpu.memref_slice %arg3[%dma_start3A_441, %dma_start3A_442] : memref<1000000x128xf32, #tpu.memory_space<hbm>> -> memref<1000000x128xf32, #tpu.memory_space<hbm>>
      %dma_start3A_444 = tpu.memref_slice %arg7[%dma_start3A_430] : memref<4x!tpu.dma_semaphore, #tpu.memory_space<semaphore_mem>> -> memref<1x!tpu.dma_semaphore, #tpu.memory_space<semaphore_mem>>
      %dma_start3A_445 = tpu.memref_squeeze %dma_start3A_444 : memref<1x!tpu.dma_semaphore, #tpu.memory_space<semaphore_mem>> -> memref<!tpu.dma_semaphore, #tpu.memory_space<semaphore_mem>>
      tpu.enqueue_indirect_dma source(%dma_start3A_443 : memref<1000000x128xf32, #tpu.memory_space<hbm>>) target(%dma_start3A_437 : memref<128x128xf32, #tpu.memory_space<vmem>>) offsets(%dma_start3A_440 : memref<128xi32, #tpu.memory_space<vmem>>) semaphore(%dma_start3A_445 : memref<!tpu.dma_semaphore, #tpu.memory_space<semaphore_mem>>)
      %add3A_446 = arith.constant 2 : i32
      %add3A_447 = arith.addi %add3A_289, %add3A_446 : i32
      %dma_wait3A_448 = arith.constant 2 : i32
      %dma_wait3A_449 = arith.constant 2 : i32
      %dma_wait3A_450 = arith.constant 0 : i32
      %dma_wait3A_451 = arith.constant 0 : i32
      %dma_wait3A_452 = tpu.memref_slice %arg6[%dma_wait3A_448, %dma_wait3A_450, %dma_wait3A_451] : memref<4x128x128xf32, #tpu.memory_space<vmem>> -> memref<1x128x128xf32, #tpu.memory_space<vmem>>
      %dma_wait3A_453 = tpu.memref_squeeze %dma_wait3A_452 : memref<1x128x128xf32, #tpu.memory_space<vmem>> -> memref<128x128xf32, #tpu.memory_space<vmem>>
      %dma_wait3A_454 = arith.constant 0 : i32
      %dma_wait3A_455 = arith.constant 0 : i32
      %dma_wait3A_456 = tpu.memref_slice %arg3[%dma_wait3A_454, %dma_wait3A_455] : memref<1000000x128xf32, #tpu.memory_space<hbm>> -> memref<128x128xf32, #tpu.memory_space<hbm>>
      %dma_wait3A_457 = tpu.memref_slice %arg7[%dma_wait3A_449] : memref<4x!tpu.dma_semaphore, #tpu.memory_space<semaphore_mem>> -> memref<1x!tpu.dma_semaphore, #tpu.memory_space<semaphore_mem>>
      %dma_wait3A_458 = tpu.memref_squeeze %dma_wait3A_457 : memref<1x!tpu.dma_semaphore, #tpu.memory_space<semaphore_mem>> -> memref<!tpu.dma_semaphore, #tpu.memory_space<semaphore_mem>>
      %dma_wait3A_459 = arith.constant 0 : i32
      %dma_wait3A_460 = arith.constant 0 : i32
      %dma_wait3A_461 = tpu.memref_slice %arg6[%dma_wait3A_448, %dma_wait3A_459, %dma_wait3A_460] : memref<4x128x128xf32, #tpu.memory_space<vmem>> -> memref<1x128x128xf32, #tpu.memory_space<vmem>>
      %dma_wait3A_462 = tpu.memref_squeeze %dma_wait3A_461 : memref<1x128x128xf32, #tpu.memory_space<vmem>> -> memref<128x128xf32, #tpu.memory_space<vmem>>
      %dma_wait3A_463 = arith.constant 0 : i32
      %dma_wait3A_464 = arith.constant 0 : i32
      %dma_wait3A_465 = tpu.memref_slice %arg3[%dma_wait3A_463, %dma_wait3A_464] : memref<1000000x128xf32, #tpu.memory_space<hbm>> -> memref<128x128xf32, #tpu.memory_space<hbm>>
      tpu.wait_dma2 semaphore(%dma_wait3A_458 : memref<!tpu.dma_semaphore, #tpu.memory_space<semaphore_mem>>) src(%dma_wait3A_465 : memref<128x128xf32, #tpu.memory_space<hbm>>) dst(%dma_wait3A_462 : memref<128x128xf32, #tpu.memory_space<vmem>>)
      %mul3A_466 = arith.constant 128 : i32
      %mul3A_467 = arith.muli %add3A_447, %mul3A_466 : i32
      %add3A_468 = arith.addi %mul3A_2, %mul3A_467 : i32
      %dma_start3A_469 = arith.constant 2 : i32
      %dma_start3A_470 = arith.constant 2 : i32
      %dma_start3A_471 = arith.constant 0 : i32
      %dma_start3A_472 = arith.constant 0 : i32
      %dma_start3A_473 = tpu.memref_slice %arg6[%dma_start3A_469, %dma_start3A_471, %dma_start3A_472] : memref<4x128x128xf32, #tpu.memory_space<vmem>> -> memref<1x128x128xf32, #tpu.memory_space<vmem>>
      %dma_start3A_474 = tpu.memref_squeeze %dma_start3A_473 : memref<1x128x128xf32, #tpu.memory_space<vmem>> -> memref<128x128xf32, #tpu.memory_space<vmem>>
      %dma_start3A_475 = arith.constant 0 : i32
      %dma_start3A_476 = tpu.memref_slice %arg4[%add3A_468, %dma_start3A_475] : memref<917504x128xf32, #tpu.memory_space<hbm>> -> memref<128x128xf32, #tpu.memory_space<hbm>>
      %dma_start3A_477 = tpu.memref_slice %arg8[%dma_start3A_470] : memref<4x!tpu.dma_semaphore, #tpu.memory_space<semaphore_mem>> -> memref<1x!tpu.dma_semaphore, #tpu.memory_space<semaphore_mem>>
      %dma_start3A_478 = tpu.memref_squeeze %dma_start3A_477 : memref<1x!tpu.dma_semaphore, #tpu.memory_space<semaphore_mem>> -> memref<!tpu.dma_semaphore, #tpu.memory_space<semaphore_mem>>
      %dma_start3A_479 = arith.constant 0 : i32
      %dma_start3A_480 = tpu.memref_slice %arg4[%add3A_468, %dma_start3A_479] : memref<917504x128xf32, #tpu.memory_space<hbm>> -> memref<128x128xf32, #tpu.memory_space<hbm>>
      %dma_start3A_481 = arith.constant 0 : i32
      %dma_start3A_482 = arith.constant 0 : i32
      %dma_start3A_483 = tpu.memref_slice %arg6[%dma_start3A_469, %dma_start3A_481, %dma_start3A_482] : memref<4x128x128xf32, #tpu.memory_space<vmem>> -> memref<1x128x128xf32, #tpu.memory_space<vmem>>
      %dma_start3A_484 = tpu.memref_squeeze %dma_start3A_483 : memref<1x128x128xf32, #tpu.memory_space<vmem>> -> memref<128x128xf32, #tpu.memory_space<vmem>>
      tpu.enqueue_dma source(%dma_start3A_484 : memref<128x128xf32, #tpu.memory_space<vmem>>) target(%dma_start3A_480 : memref<128x128xf32, #tpu.memory_space<hbm>>) target_semaphore(%dma_start3A_478 : memref<!tpu.dma_semaphore, #tpu.memory_space<semaphore_mem>>)
      %dma_wait3A_485 = arith.constant 2 : i32
      %dma_wait3A_486 = arith.constant 2 : i32
      %dma_wait3A_487 = arith.constant 0 : i32
      %dma_wait3A_488 = arith.constant 0 : i32
      %dma_wait3A_489 = tpu.memref_slice %arg6[%dma_wait3A_485, %dma_wait3A_487, %dma_wait3A_488] : memref<4x128x128xf32, #tpu.memory_space<vmem>> -> memref<1x128x128xf32, #tpu.memory_space<vmem>>
      %dma_wait3A_490 = tpu.memref_squeeze %dma_wait3A_489 : memref<1x128x128xf32, #tpu.memory_space<vmem>> -> memref<128x128xf32, #tpu.memory_space<vmem>>
      %dma_wait3A_491 = arith.constant 0 : i32
      %dma_wait3A_492 = tpu.memref_slice %arg4[%mul3A_2, %dma_wait3A_491] : memref<917504x128xf32, #tpu.memory_space<hbm>> -> memref<128x128xf32, #tpu.memory_space<hbm>>
      %dma_wait3A_493 = tpu.memref_slice %arg8[%dma_wait3A_486] : memref<4x!tpu.dma_semaphore, #tpu.memory_space<semaphore_mem>> -> memref<1x!tpu.dma_semaphore, #tpu.memory_space<semaphore_mem>>
      %dma_wait3A_494 = tpu.memref_squeeze %dma_wait3A_493 : memref<1x!tpu.dma_semaphore, #tpu.memory_space<semaphore_mem>> -> memref<!tpu.dma_semaphore, #tpu.memory_space<semaphore_mem>>
      %dma_wait3A_495 = arith.constant 0 : i32
      %dma_wait3A_496 = tpu.memref_slice %arg4[%mul3A_2, %dma_wait3A_495] : memref<917504x128xf32, #tpu.memory_space<hbm>> -> memref<128x128xf32, #tpu.memory_space<hbm>>
      %dma_wait3A_497 = arith.constant 0 : i32
      %dma_wait3A_498 = arith.constant 0 : i32
      %dma_wait3A_499 = tpu.memref_slice %arg6[%dma_wait3A_485, %dma_wait3A_497, %dma_wait3A_498] : memref<4x128x128xf32, #tpu.memory_space<vmem>> -> memref<1x128x128xf32, #tpu.memory_space<vmem>>
      %dma_wait3A_500 = tpu.memref_squeeze %dma_wait3A_499 : memref<1x128x128xf32, #tpu.memory_space<vmem>> -> memref<128x128xf32, #tpu.memory_space<vmem>>
      tpu.wait_dma2 semaphore(%dma_wait3A_494 : memref<!tpu.dma_semaphore, #tpu.memory_space<semaphore_mem>>) src(%dma_wait3A_500 : memref<128x128xf32, #tpu.memory_space<vmem>>) dst(%dma_wait3A_496 : memref<128x128xf32, #tpu.memory_space<hbm>>)
      %add3A_501 = arith.constant 4 : i32
      %add3A_502 = arith.addi %add3A_447, %add3A_501 : i32
      %mul3A_503 = arith.constant 1 : i32
      %mul3A_504 = arith.muli %add3A_502, %mul3A_503 : i32
      %add3A_505 = arith.constant 0 : i32
      %add3A_506 = arith.addi %mul3A_504, %add3A_505 : i32
      %dma_start3A_507 = arith.constant 2 : i32
      %dma_start3A_508 = arith.constant 2 : i32
      %dma_start3A_509 = arith.constant 0 : i32
      %dma_start3A_510 = arith.constant 0 : i32
      %dma_start3A_511 = tpu.memref_slice %arg6[%dma_start3A_507, %dma_start3A_509, %dma_start3A_510] : memref<4x128x128xf32, #tpu.memory_space<vmem>> -> memref<1x128x128xf32, #tpu.memory_space<vmem>>
      %dma_start3A_512 = tpu.memref_squeeze %dma_start3A_511 : memref<1x128x128xf32, #tpu.memory_space<vmem>> -> memref<128x128xf32, #tpu.memory_space<vmem>>
      %dma_start3A_513 = arith.constant 0 : i32
      %dma_start3A_514 = arith.constant 0 : i32
      %dma_start3A_515 = tpu.memref_slice %dma_start3A_512[%dma_start3A_513, %dma_start3A_514] : memref<128x128xf32, #tpu.memory_space<vmem>> -> memref<128x128xf32, #tpu.memory_space<vmem>>
      %dma_start3A_516 = arith.constant 0 : i32
      %dma_start3A_517 = tpu.memref_slice %arg5[%add3A_506, %dma_start3A_516] : memref<224x128xi32, #tpu.memory_space<vmem>> -> memref<1x128xi32, #tpu.memory_space<vmem>>
      %dma_start3A_518 = tpu.memref_squeeze %dma_start3A_517 : memref<1x128xi32, #tpu.memory_space<vmem>> -> memref<128xi32, #tpu.memory_space<vmem>>
      %dma_start3A_519 = arith.constant 0 : i32
      %dma_start3A_520 = arith.constant 0 : i32
      %dma_start3A_521 = tpu.memref_slice %arg3[%dma_start3A_519, %dma_start3A_520] : memref<1000000x128xf32, #tpu.memory_space<hbm>> -> memref<1000000x128xf32, #tpu.memory_space<hbm>>
      %dma_start3A_522 = tpu.memref_slice %arg7[%dma_start3A_508] : memref<4x!tpu.dma_semaphore, #tpu.memory_space<semaphore_mem>> -> memref<1x!tpu.dma_semaphore, #tpu.memory_space<semaphore_mem>>
      %dma_start3A_523 = tpu.memref_squeeze %dma_start3A_522 : memref<1x!tpu.dma_semaphore, #tpu.memory_space<semaphore_mem>> -> memref<!tpu.dma_semaphore, #tpu.memory_space<semaphore_mem>>
      tpu.enqueue_indirect_dma source(%dma_start3A_521 : memref<1000000x128xf32, #tpu.memory_space<hbm>>) target(%dma_start3A_515 : memref<128x128xf32, #tpu.memory_space<vmem>>) offsets(%dma_start3A_518 : memref<128xi32, #tpu.memory_space<vmem>>) semaphore(%dma_start3A_523 : memref<!tpu.dma_semaphore, #tpu.memory_space<semaphore_mem>>)
      %add3A_524 = arith.constant 3 : i32
      %add3A_525 = arith.addi %add3A_289, %add3A_524 : i32
      %dma_wait3A_526 = arith.constant 3 : i32
      %dma_wait3A_527 = arith.constant 3 : i32
      %dma_wait3A_528 = arith.constant 0 : i32
      %dma_wait3A_529 = arith.constant 0 : i32
      %dma_wait3A_530 = tpu.memref_slice %arg6[%dma_wait3A_526, %dma_wait3A_528, %dma_wait3A_529] : memref<4x128x128xf32, #tpu.memory_space<vmem>> -> memref<1x128x128xf32, #tpu.memory_space<vmem>>
      %dma_wait3A_531 = tpu.memref_squeeze %dma_wait3A_530 : memref<1x128x128xf32, #tpu.memory_space<vmem>> -> memref<128x128xf32, #tpu.memory_space<vmem>>
      %dma_wait3A_532 = arith.constant 0 : i32
      %dma_wait3A_533 = arith.constant 0 : i32
      %dma_wait3A_534 = tpu.memref_slice %arg3[%dma_wait3A_532, %dma_wait3A_533] : memref<1000000x128xf32, #tpu.memory_space<hbm>> -> memref<128x128xf32, #tpu.memory_space<hbm>>
      %dma_wait3A_535 = tpu.memref_slice %arg7[%dma_wait3A_527] : memref<4x!tpu.dma_semaphore, #tpu.memory_space<semaphore_mem>> -> memref<1x!tpu.dma_semaphore, #tpu.memory_space<semaphore_mem>>
      %dma_wait3A_536 = tpu.memref_squeeze %dma_wait3A_535 : memref<1x!tpu.dma_semaphore, #tpu.memory_space<semaphore_mem>> -> memref<!tpu.dma_semaphore, #tpu.memory_space<semaphore_mem>>
      %dma_wait3A_537 = arith.constant 0 : i32
      %dma_wait3A_538 = arith.constant 0 : i32
      %dma_wait3A_539 = tpu.memref_slice %arg6[%dma_wait3A_526, %dma_wait3A_537, %dma_wait3A_538] : memref<4x128x128xf32, #tpu.memory_space<vmem>> -> memref<1x128x128xf32, #tpu.memory_space<vmem>>
      %dma_wait3A_540 = tpu.memref_squeeze %dma_wait3A_539 : memref<1x128x128xf32, #tpu.memory_space<vmem>> -> memref<128x128xf32, #tpu.memory_space<vmem>>
      %dma_wait3A_541 = arith.constant 0 : i32
      %dma_wait3A_542 = arith.constant 0 : i32
      %dma_wait3A_543 = tpu.memref_slice %arg3[%dma_wait3A_541, %dma_wait3A_542] : memref<1000000x128xf32, #tpu.memory_space<hbm>> -> memref<128x128xf32, #tpu.memory_space<hbm>>
      tpu.wait_dma2 semaphore(%dma_wait3A_536 : memref<!tpu.dma_semaphore, #tpu.memory_space<semaphore_mem>>) src(%dma_wait3A_543 : memref<128x128xf32, #tpu.memory_space<hbm>>) dst(%dma_wait3A_540 : memref<128x128xf32, #tpu.memory_space<vmem>>)
      %mul3A_544 = arith.constant 128 : i32
      %mul3A_545 = arith.muli %add3A_525, %mul3A_544 : i32
      %add3A_546 = arith.addi %mul3A_2, %mul3A_545 : i32
      %dma_start3A_547 = arith.constant 3 : i32
      %dma_start3A_548 = arith.constant 3 : i32
      %dma_start3A_549 = arith.constant 0 : i32
      %dma_start3A_550 = arith.constant 0 : i32
      %dma_start3A_551 = tpu.memref_slice %arg6[%dma_start3A_547, %dma_start3A_549, %dma_start3A_550] : memref<4x128x128xf32, #tpu.memory_space<vmem>> -> memref<1x128x128xf32, #tpu.memory_space<vmem>>
      %dma_start3A_552 = tpu.memref_squeeze %dma_start3A_551 : memref<1x128x128xf32, #tpu.memory_space<vmem>> -> memref<128x128xf32, #tpu.memory_space<vmem>>
      %dma_start3A_553 = arith.constant 0 : i32
      %dma_start3A_554 = tpu.memref_slice %arg4[%add3A_546, %dma_start3A_553] : memref<917504x128xf32, #tpu.memory_space<hbm>> -> memref<128x128xf32, #tpu.memory_space<hbm>>
      %dma_start3A_555 = tpu.memref_slice %arg8[%dma_start3A_548] : memref<4x!tpu.dma_semaphore, #tpu.memory_space<semaphore_mem>> -> memref<1x!tpu.dma_semaphore, #tpu.memory_space<semaphore_mem>>
      %dma_start3A_556 = tpu.memref_squeeze %dma_start3A_555 : memref<1x!tpu.dma_semaphore, #tpu.memory_space<semaphore_mem>> -> memref<!tpu.dma_semaphore, #tpu.memory_space<semaphore_mem>>
      %dma_start3A_557 = arith.constant 0 : i32
      %dma_start3A_558 = tpu.memref_slice %arg4[%add3A_546, %dma_start3A_557] : memref<917504x128xf32, #tpu.memory_space<hbm>> -> memref<128x128xf32, #tpu.memory_space<hbm>>
      %dma_start3A_559 = arith.constant 0 : i32
      %dma_start3A_560 = arith.constant 0 : i32
      %dma_start3A_561 = tpu.memref_slice %arg6[%dma_start3A_547, %dma_start3A_559, %dma_start3A_560] : memref<4x128x128xf32, #tpu.memory_space<vmem>> -> memref<1x128x128xf32, #tpu.memory_space<vmem>>
      %dma_start3A_562 = tpu.memref_squeeze %dma_start3A_561 : memref<1x128x128xf32, #tpu.memory_space<vmem>> -> memref<128x128xf32, #tpu.memory_space<vmem>>
      tpu.enqueue_dma source(%dma_start3A_562 : memref<128x128xf32, #tpu.memory_space<vmem>>) target(%dma_start3A_558 : memref<128x128xf32, #tpu.memory_space<hbm>>) target_semaphore(%dma_start3A_556 : memref<!tpu.dma_semaphore, #tpu.memory_space<semaphore_mem>>)
      %dma_wait3A_563 = arith.constant 3 : i32
      %dma_wait3A_564 = arith.constant 3 : i32
      %dma_wait3A_565 = arith.constant 0 : i32
      %dma_wait3A_566 = arith.constant 0 : i32
      %dma_wait3A_567 = tpu.memref_slice %arg6[%dma_wait3A_563, %dma_wait3A_565, %dma_wait3A_566] : memref<4x128x128xf32, #tpu.memory_space<vmem>> -> memref<1x128x128xf32, #tpu.memory_space<vmem>>
      %dma_wait3A_568 = tpu.memref_squeeze %dma_wait3A_567 : memref<1x128x128xf32, #tpu.memory_space<vmem>> -> memref<128x128xf32, #tpu.memory_space<vmem>>
      %dma_wait3A_569 = arith.constant 0 : i32
      %dma_wait3A_570 = tpu.memref_slice %arg4[%mul3A_2, %dma_wait3A_569] : memref<917504x128xf32, #tpu.memory_space<hbm>> -> memref<128x128xf32, #tpu.memory_space<hbm>>
      %dma_wait3A_571 = tpu.memref_slice %arg8[%dma_wait3A_564] : memref<4x!tpu.dma_semaphore, #tpu.memory_space<semaphore_mem>> -> memref<1x!tpu.dma_semaphore, #tpu.memory_space<semaphore_mem>>
      %dma_wait3A_572 = tpu.memref_squeeze %dma_wait3A_571 : memref<1x!tpu.dma_semaphore, #tpu.memory_space<semaphore_mem>> -> memref<!tpu.dma_semaphore, #tpu.memory_space<semaphore_mem>>
      %dma_wait3A_573 = arith.constant 0 : i32
      %dma_wait3A_574 = tpu.memref_slice %arg4[%mul3A_2, %dma_wait3A_573] : memref<917504x128xf32, #tpu.memory_space<hbm>> -> memref<128x128xf32, #tpu.memory_space<hbm>>
      %dma_wait3A_575 = arith.constant 0 : i32
      %dma_wait3A_576 = arith.constant 0 : i32
      %dma_wait3A_577 = tpu.memref_slice %arg6[%dma_wait3A_563, %dma_wait3A_575, %dma_wait3A_576] : memref<4x128x128xf32, #tpu.memory_space<vmem>> -> memref<1x128x128xf32, #tpu.memory_space<vmem>>
      %dma_wait3A_578 = tpu.memref_squeeze %dma_wait3A_577 : memref<1x128x128xf32, #tpu.memory_space<vmem>> -> memref<128x128xf32, #tpu.memory_space<vmem>>
      tpu.wait_dma2 semaphore(%dma_wait3A_572 : memref<!tpu.dma_semaphore, #tpu.memory_space<semaphore_mem>>) src(%dma_wait3A_578 : memref<128x128xf32, #tpu.memory_space<vmem>>) dst(%dma_wait3A_574 : memref<128x128xf32, #tpu.memory_space<hbm>>)
      %add3A_579 = arith.constant 4 : i32
      %add3A_580 = arith.addi %add3A_525, %add3A_579 : i32
      %mul3A_581 = arith.constant 1 : i32
      %mul3A_582 = arith.muli %add3A_580, %mul3A_581 : i32
      %add3A_583 = arith.constant 0 : i32
      %add3A_584 = arith.addi %mul3A_582, %add3A_583 : i32
      %dma_start3A_585 = arith.constant 3 : i32
      %dma_start3A_586 = arith.constant 3 : i32
      %dma_start3A_587 = arith.constant 0 : i32
      %dma_start3A_588 = arith.constant 0 : i32
      %dma_start3A_589 = tpu.memref_slice %arg6[%dma_start3A_585, %dma_start3A_587, %dma_start3A_588] : memref<4x128x128xf32, #tpu.memory_space<vmem>> -> memref<1x128x128xf32, #tpu.memory_space<vmem>>
      %dma_start3A_590 = tpu.memref_squeeze %dma_start3A_589 : memref<1x128x128xf32, #tpu.memory_space<vmem>> -> memref<128x128xf32, #tpu.memory_space<vmem>>
      %dma_start3A_591 = arith.constant 0 : i32
      %dma_start3A_592 = arith.constant 0 : i32
      %dma_start3A_593 = tpu.memref_slice %dma_start3A_590[%dma_start3A_591, %dma_start3A_592] : memref<128x128xf32, #tpu.memory_space<vmem>> -> memref<128x128xf32, #tpu.memory_space<vmem>>
      %dma_start3A_594 = arith.constant 0 : i32
      %dma_start3A_595 = tpu.memref_slice %arg5[%add3A_584, %dma_start3A_594] : memref<224x128xi32, #tpu.memory_space<vmem>> -> memref<1x128xi32, #tpu.memory_space<vmem>>
      %dma_start3A_596 = tpu.memref_squeeze %dma_start3A_595 : memref<1x128xi32, #tpu.memory_space<vmem>> -> memref<128xi32, #tpu.memory_space<vmem>>
      %dma_start3A_597 = arith.constant 0 : i32
      %dma_start3A_598 = arith.constant 0 : i32
      %dma_start3A_599 = tpu.memref_slice %arg3[%dma_start3A_597, %dma_start3A_598] : memref<1000000x128xf32, #tpu.memory_space<hbm>> -> memref<1000000x128xf32, #tpu.memory_space<hbm>>
      %dma_start3A_600 = tpu.memref_slice %arg7[%dma_start3A_586] : memref<4x!tpu.dma_semaphore, #tpu.memory_space<semaphore_mem>> -> memref<1x!tpu.dma_semaphore, #tpu.memory_space<semaphore_mem>>
      %dma_start3A_601 = tpu.memref_squeeze %dma_start3A_600 : memref<1x!tpu.dma_semaphore, #tpu.memory_space<semaphore_mem>> -> memref<!tpu.dma_semaphore, #tpu.memory_space<semaphore_mem>>
      tpu.enqueue_indirect_dma source(%dma_start3A_599 : memref<1000000x128xf32, #tpu.memory_space<hbm>>) target(%dma_start3A_593 : memref<128x128xf32, #tpu.memory_space<vmem>>) offsets(%dma_start3A_596 : memref<128xi32, #tpu.memory_space<vmem>>) semaphore(%dma_start3A_601 : memref<!tpu.dma_semaphore, #tpu.memory_space<semaphore_mem>>)
    }
    %scan3A_77 = arith.constant 55 : i32
    %dma_wait3A = arith.constant 0 : i32
    %dma_wait3A_78 = arith.constant 0 : i32
    %dma_wait3A_79 = arith.constant 0 : i32
    %dma_wait3A_80 = arith.constant 0 : i32
    %dma_wait3A_81 = tpu.memref_slice %arg6[%dma_wait3A, %dma_wait3A_79, %dma_wait3A_80] : memref<4x128x128xf32, #tpu.memory_space<vmem>> -> memref<1x128x128xf32, #tpu.memory_space<vmem>>
    %dma_wait3A_82 = tpu.memref_squeeze %dma_wait3A_81 : memref<1x128x128xf32, #tpu.memory_space<vmem>> -> memref<128x128xf32, #tpu.memory_space<vmem>>
    %dma_wait3A_83 = arith.constant 0 : i32
    %dma_wait3A_84 = arith.constant 0 : i32
    %dma_wait3A_85 = tpu.memref_slice %arg3[%dma_wait3A_83, %dma_wait3A_84] : memref<1000000x128xf32, #tpu.memory_space<hbm>> -> memref<128x128xf32, #tpu.memory_space<hbm>>
    %dma_wait3A_86 = tpu.memref_slice %arg7[%dma_wait3A_78] : memref<4x!tpu.dma_semaphore, #tpu.memory_space<semaphore_mem>> -> memref<1x!tpu.dma_semaphore, #tpu.memory_space<semaphore_mem>>
    %dma_wait3A_87 = tpu.memref_squeeze %dma_wait3A_86 : memref<1x!tpu.dma_semaphore, #tpu.memory_space<semaphore_mem>> -> memref<!tpu.dma_semaphore, #tpu.memory_space<semaphore_mem>>
    %dma_wait3A_88 = arith.constant 0 : i32
    %dma_wait3A_89 = arith.constant 0 : i32
    %dma_wait3A_90 = tpu.memref_slice %arg6[%dma_wait3A, %dma_wait3A_88, %dma_wait3A_89] : memref<4x128x128xf32, #tpu.memory_space<vmem>> -> memref<1x128x128xf32, #tpu.memory_space<vmem>>
    %dma_wait3A_91 = tpu.memref_squeeze %dma_wait3A_90 : memref<1x128x128xf32, #tpu.memory_space<vmem>> -> memref<128x128xf32, #tpu.memory_space<vmem>>
    %dma_wait3A_92 = arith.constant 0 : i32
    %dma_wait3A_93 = arith.constant 0 : i32
    %dma_wait3A_94 = tpu.memref_slice %arg3[%dma_wait3A_92, %dma_wait3A_93] : memref<1000000x128xf32, #tpu.memory_space<hbm>> -> memref<128x128xf32, #tpu.memory_space<hbm>>
    tpu.wait_dma2 semaphore(%dma_wait3A_87 : memref<!tpu.dma_semaphore, #tpu.memory_space<semaphore_mem>>) src(%dma_wait3A_94 : memref<128x128xf32, #tpu.memory_space<hbm>>) dst(%dma_wait3A_91 : memref<128x128xf32, #tpu.memory_space<vmem>>)
    %add3A_95 = arith.constant 28160 : i32
    %add3A_96 = arith.addi %mul3A_2, %add3A_95 : i32
    %dma_start3A_97 = arith.constant 0 : i32
    %dma_start3A_98 = arith.constant 0 : i32
    %dma_start3A_99 = arith.constant 0 : i32
    %dma_start3A_100 = arith.constant 0 : i32
    %dma_start3A_101 = tpu.memref_slice %arg6[%dma_start3A_97, %dma_start3A_99, %dma_start3A_100] : memref<4x128x128xf32, #tpu.memory_space<vmem>> -> memref<1x128x128xf32, #tpu.memory_space<vmem>>
    %dma_start3A_102 = tpu.memref_squeeze %dma_start3A_101 : memref<1x128x128xf32, #tpu.memory_space<vmem>> -> memref<128x128xf32, #tpu.memory_space<vmem>>
    %dma_start3A_103 = arith.constant 0 : i32
    %dma_start3A_104 = tpu.memref_slice %arg4[%add3A_96, %dma_start3A_103] : memref<917504x128xf32, #tpu.memory_space<hbm>> -> memref<128x128xf32, #tpu.memory_space<hbm>>
    %dma_start3A_105 = tpu.memref_slice %arg8[%dma_start3A_98] : memref<4x!tpu.dma_semaphore, #tpu.memory_space<semaphore_mem>> -> memref<1x!tpu.dma_semaphore, #tpu.memory_space<semaphore_mem>>
    %dma_start3A_106 = tpu.memref_squeeze %dma_start3A_105 : memref<1x!tpu.dma_semaphore, #tpu.memory_space<semaphore_mem>> -> memref<!tpu.dma_semaphore, #tpu.memory_space<semaphore_mem>>
    %dma_start3A_107 = arith.constant 0 : i32
    %dma_start3A_108 = tpu.memref_slice %arg4[%add3A_96, %dma_start3A_107] : memref<917504x128xf32, #tpu.memory_space<hbm>> -> memref<128x128xf32, #tpu.memory_space<hbm>>
    %dma_start3A_109 = arith.constant 0 : i32
    %dma_start3A_110 = arith.constant 0 : i32
    %dma_start3A_111 = tpu.memref_slice %arg6[%dma_start3A_97, %dma_start3A_109, %dma_start3A_110] : memref<4x128x128xf32, #tpu.memory_space<vmem>> -> memref<1x128x128xf32, #tpu.memory_space<vmem>>
    %dma_start3A_112 = tpu.memref_squeeze %dma_start3A_111 : memref<1x128x128xf32, #tpu.memory_space<vmem>> -> memref<128x128xf32, #tpu.memory_space<vmem>>
    tpu.enqueue_dma source(%dma_start3A_112 : memref<128x128xf32, #tpu.memory_space<vmem>>) target(%dma_start3A_108 : memref<128x128xf32, #tpu.memory_space<hbm>>) target_semaphore(%dma_start3A_106 : memref<!tpu.dma_semaphore, #tpu.memory_space<semaphore_mem>>)
    %dma_wait3A_113 = arith.constant 0 : i32
    %dma_wait3A_114 = arith.constant 0 : i32
    %dma_wait3A_115 = arith.constant 0 : i32
    %dma_wait3A_116 = arith.constant 0 : i32
    %dma_wait3A_117 = tpu.memref_slice %arg6[%dma_wait3A_113, %dma_wait3A_115, %dma_wait3A_116] : memref<4x128x128xf32, #tpu.memory_space<vmem>> -> memref<1x128x128xf32, #tpu.memory_space<vmem>>
    %dma_wait3A_118 = tpu.memref_squeeze %dma_wait3A_117 : memref<1x128x128xf32, #tpu.memory_space<vmem>> -> memref<128x128xf32, #tpu.memory_space<vmem>>
    %dma_wait3A_119 = arith.constant 0 : i32
    %dma_wait3A_120 = tpu.memref_slice %arg4[%mul3A_2, %dma_wait3A_119] : memref<917504x128xf32, #tpu.memory_space<hbm>> -> memref<128x128xf32, #tpu.memory_space<hbm>>
    %dma_wait3A_121 = tpu.memref_slice %arg8[%dma_wait3A_114] : memref<4x!tpu.dma_semaphore, #tpu.memory_space<semaphore_mem>> -> memref<1x!tpu.dma_semaphore, #tpu.memory_space<semaphore_mem>>
    %dma_wait3A_122 = tpu.memref_squeeze %dma_wait3A_121 : memref<1x!tpu.dma_semaphore, #tpu.memory_space<semaphore_mem>> -> memref<!tpu.dma_semaphore, #tpu.memory_space<semaphore_mem>>
    %dma_wait3A_123 = arith.constant 0 : i32
    %dma_wait3A_124 = tpu.memref_slice %arg4[%mul3A_2, %dma_wait3A_123] : memref<917504x128xf32, #tpu.memory_space<hbm>> -> memref<128x128xf32, #tpu.memory_space<hbm>>
    %dma_wait3A_125 = arith.constant 0 : i32
    %dma_wait3A_126 = arith.constant 0 : i32
    %dma_wait3A_127 = tpu.memref_slice %arg6[%dma_wait3A_113, %dma_wait3A_125, %dma_wait3A_126] : memref<4x128x128xf32, #tpu.memory_space<vmem>> -> memref<1x128x128xf32, #tpu.memory_space<vmem>>
    %dma_wait3A_128 = tpu.memref_squeeze %dma_wait3A_127 : memref<1x128x128xf32, #tpu.memory_space<vmem>> -> memref<128x128xf32, #tpu.memory_space<vmem>>
    tpu.wait_dma2 semaphore(%dma_wait3A_122 : memref<!tpu.dma_semaphore, #tpu.memory_space<semaphore_mem>>) src(%dma_wait3A_128 : memref<128x128xf32, #tpu.memory_space<vmem>>) dst(%dma_wait3A_124 : memref<128x128xf32, #tpu.memory_space<hbm>>)
    %dma_wait3A_129 = arith.constant 1 : i32
    %dma_wait3A_130 = arith.constant 1 : i32
    %dma_wait3A_131 = arith.constant 0 : i32
    %dma_wait3A_132 = arith.constant 0 : i32
    %dma_wait3A_133 = tpu.memref_slice %arg6[%dma_wait3A_129, %dma_wait3A_131, %dma_wait3A_132] : memref<4x128x128xf32, #tpu.memory_space<vmem>> -> memref<1x128x128xf32, #tpu.memory_space<vmem>>
    %dma_wait3A_134 = tpu.memref_squeeze %dma_wait3A_133 : memref<1x128x128xf32, #tpu.memory_space<vmem>> -> memref<128x128xf32, #tpu.memory_space<vmem>>
    %dma_wait3A_135 = arith.constant 0 : i32
    %dma_wait3A_136 = arith.constant 0 : i32
    %dma_wait3A_137 = tpu.memref_slice %arg3[%dma_wait3A_135, %dma_wait3A_136] : memref<1000000x128xf32, #tpu.memory_space<hbm>> -> memref<128x128xf32, #tpu.memory_space<hbm>>
    %dma_wait3A_138 = tpu.memref_slice %arg7[%dma_wait3A_130] : memref<4x!tpu.dma_semaphore, #tpu.memory_space<semaphore_mem>> -> memref<1x!tpu.dma_semaphore, #tpu.memory_space<semaphore_mem>>
    %dma_wait3A_139 = tpu.memref_squeeze %dma_wait3A_138 : memref<1x!tpu.dma_semaphore, #tpu.memory_space<semaphore_mem>> -> memref<!tpu.dma_semaphore, #tpu.memory_space<semaphore_mem>>
    %dma_wait3A_140 = arith.constant 0 : i32
    %dma_wait3A_141 = arith.constant 0 : i32
    %dma_wait3A_142 = tpu.memref_slice %arg6[%dma_wait3A_129, %dma_wait3A_140, %dma_wait3A_141] : memref<4x128x128xf32, #tpu.memory_space<vmem>> -> memref<1x128x128xf32, #tpu.memory_space<vmem>>
    %dma_wait3A_143 = tpu.memref_squeeze %dma_wait3A_142 : memref<1x128x128xf32, #tpu.memory_space<vmem>> -> memref<128x128xf32, #tpu.memory_space<vmem>>
    %dma_wait3A_144 = arith.constant 0 : i32
    %dma_wait3A_145 = arith.constant 0 : i32
    %dma_wait3A_146 = tpu.memref_slice %arg3[%dma_wait3A_144, %dma_wait3A_145] : memref<1000000x128xf32, #tpu.memory_space<hbm>> -> memref<128x128xf32, #tpu.memory_space<hbm>>
    tpu.wait_dma2 semaphore(%dma_wait3A_139 : memref<!tpu.dma_semaphore, #tpu.memory_space<semaphore_mem>>) src(%dma_wait3A_146 : memref<128x128xf32, #tpu.memory_space<hbm>>) dst(%dma_wait3A_143 : memref<128x128xf32, #tpu.memory_space<vmem>>)
    %add3A_147 = arith.constant 28288 : i32
    %add3A_148 = arith.addi %mul3A_2, %add3A_147 : i32
    %dma_start3A_149 = arith.constant 1 : i32
    %dma_start3A_150 = arith.constant 1 : i32
    %dma_start3A_151 = arith.constant 0 : i32
    %dma_start3A_152 = arith.constant 0 : i32
    %dma_start3A_153 = tpu.memref_slice %arg6[%dma_start3A_149, %dma_start3A_151, %dma_start3A_152] : memref<4x128x128xf32, #tpu.memory_space<vmem>> -> memref<1x128x128xf32, #tpu.memory_space<vmem>>
    %dma_start3A_154 = tpu.memref_squeeze %dma_start3A_153 : memref<1x128x128xf32, #tpu.memory_space<vmem>> -> memref<128x128xf32, #tpu.memory_space<vmem>>
    %dma_start3A_155 = arith.constant 0 : i32
    %dma_start3A_156 = tpu.memref_slice %arg4[%add3A_148, %dma_start3A_155] : memref<917504x128xf32, #tpu.memory_space<hbm>> -> memref<128x128xf32, #tpu.memory_space<hbm>>
    %dma_start3A_157 = tpu.memref_slice %arg8[%dma_start3A_150] : memref<4x!tpu.dma_semaphore, #tpu.memory_space<semaphore_mem>> -> memref<1x!tpu.dma_semaphore, #tpu.memory_space<semaphore_mem>>
    %dma_start3A_158 = tpu.memref_squeeze %dma_start3A_157 : memref<1x!tpu.dma_semaphore, #tpu.memory_space<semaphore_mem>> -> memref<!tpu.dma_semaphore, #tpu.memory_space<semaphore_mem>>
    %dma_start3A_159 = arith.constant 0 : i32
    %dma_start3A_160 = tpu.memref_slice %arg4[%add3A_148, %dma_start3A_159] : memref<917504x128xf32, #tpu.memory_space<hbm>> -> memref<128x128xf32, #tpu.memory_space<hbm>>
    %dma_start3A_161 = arith.constant 0 : i32
    %dma_start3A_162 = arith.constant 0 : i32
    %dma_start3A_163 = tpu.memref_slice %arg6[%dma_start3A_149, %dma_start3A_161, %dma_start3A_162] : memref<4x128x128xf32, #tpu.memory_space<vmem>> -> memref<1x128x128xf32, #tpu.memory_space<vmem>>
    %dma_start3A_164 = tpu.memref_squeeze %dma_start3A_163 : memref<1x128x128xf32, #tpu.memory_space<vmem>> -> memref<128x128xf32, #tpu.memory_space<vmem>>
    tpu.enqueue_dma source(%dma_start3A_164 : memref<128x128xf32, #tpu.memory_space<vmem>>) target(%dma_start3A_160 : memref<128x128xf32, #tpu.memory_space<hbm>>) target_semaphore(%dma_start3A_158 : memref<!tpu.dma_semaphore, #tpu.memory_space<semaphore_mem>>)
    %dma_wait3A_165 = arith.constant 1 : i32
    %dma_wait3A_166 = arith.constant 1 : i32
    %dma_wait3A_167 = arith.constant 0 : i32
    %dma_wait3A_168 = arith.constant 0 : i32
    %dma_wait3A_169 = tpu.memref_slice %arg6[%dma_wait3A_165, %dma_wait3A_167, %dma_wait3A_168] : memref<4x128x128xf32, #tpu.memory_space<vmem>> -> memref<1x128x128xf32, #tpu.memory_space<vmem>>
    %dma_wait3A_170 = tpu.memref_squeeze %dma_wait3A_169 : memref<1x128x128xf32, #tpu.memory_space<vmem>> -> memref<128x128xf32, #tpu.memory_space<vmem>>
    %dma_wait3A_171 = arith.constant 0 : i32
    %dma_wait3A_172 = tpu.memref_slice %arg4[%mul3A_2, %dma_wait3A_171] : memref<917504x128xf32, #tpu.memory_space<hbm>> -> memref<128x128xf32, #tpu.memory_space<hbm>>
    %dma_wait3A_173 = tpu.memref_slice %arg8[%dma_wait3A_166] : memref<4x!tpu.dma_semaphore, #tpu.memory_space<semaphore_mem>> -> memref<1x!tpu.dma_semaphore, #tpu.memory_space<semaphore_mem>>
    %dma_wait3A_174 = tpu.memref_squeeze %dma_wait3A_173 : memref<1x!tpu.dma_semaphore, #tpu.memory_space<semaphore_mem>> -> memref<!tpu.dma_semaphore, #tpu.memory_space<semaphore_mem>>
    %dma_wait3A_175 = arith.constant 0 : i32
    %dma_wait3A_176 = tpu.memref_slice %arg4[%mul3A_2, %dma_wait3A_175] : memref<917504x128xf32, #tpu.memory_space<hbm>> -> memref<128x128xf32, #tpu.memory_space<hbm>>
    %dma_wait3A_177 = arith.constant 0 : i32
    %dma_wait3A_178 = arith.constant 0 : i32
    %dma_wait3A_179 = tpu.memref_slice %arg6[%dma_wait3A_165, %dma_wait3A_177, %dma_wait3A_178] : memref<4x128x128xf32, #tpu.memory_space<vmem>> -> memref<1x128x128xf32, #tpu.memory_space<vmem>>
    %dma_wait3A_180 = tpu.memref_squeeze %dma_wait3A_179 : memref<1x128x128xf32, #tpu.memory_space<vmem>> -> memref<128x128xf32, #tpu.memory_space<vmem>>
    tpu.wait_dma2 semaphore(%dma_wait3A_174 : memref<!tpu.dma_semaphore, #tpu.memory_space<semaphore_mem>>) src(%dma_wait3A_180 : memref<128x128xf32, #tpu.memory_space<vmem>>) dst(%dma_wait3A_176 : memref<128x128xf32, #tpu.memory_space<hbm>>)
    %dma_wait3A_181 = arith.constant 2 : i32
    %dma_wait3A_182 = arith.constant 2 : i32
    %dma_wait3A_183 = arith.constant 0 : i32
    %dma_wait3A_184 = arith.constant 0 : i32
    %dma_wait3A_185 = tpu.memref_slice %arg6[%dma_wait3A_181, %dma_wait3A_183, %dma_wait3A_184] : memref<4x128x128xf32, #tpu.memory_space<vmem>> -> memref<1x128x128xf32, #tpu.memory_space<vmem>>
    %dma_wait3A_186 = tpu.memref_squeeze %dma_wait3A_185 : memref<1x128x128xf32, #tpu.memory_space<vmem>> -> memref<128x128xf32, #tpu.memory_space<vmem>>
    %dma_wait3A_187 = arith.constant 0 : i32
    %dma_wait3A_188 = arith.constant 0 : i32
    %dma_wait3A_189 = tpu.memref_slice %arg3[%dma_wait3A_187, %dma_wait3A_188] : memref<1000000x128xf32, #tpu.memory_space<hbm>> -> memref<128x128xf32, #tpu.memory_space<hbm>>
    %dma_wait3A_190 = tpu.memref_slice %arg7[%dma_wait3A_182] : memref<4x!tpu.dma_semaphore, #tpu.memory_space<semaphore_mem>> -> memref<1x!tpu.dma_semaphore, #tpu.memory_space<semaphore_mem>>
    %dma_wait3A_191 = tpu.memref_squeeze %dma_wait3A_190 : memref<1x!tpu.dma_semaphore, #tpu.memory_space<semaphore_mem>> -> memref<!tpu.dma_semaphore, #tpu.memory_space<semaphore_mem>>
    %dma_wait3A_192 = arith.constant 0 : i32
    %dma_wait3A_193 = arith.constant 0 : i32
    %dma_wait3A_194 = tpu.memref_slice %arg6[%dma_wait3A_181, %dma_wait3A_192, %dma_wait3A_193] : memref<4x128x128xf32, #tpu.memory_space<vmem>> -> memref<1x128x128xf32, #tpu.memory_space<vmem>>
    %dma_wait3A_195 = tpu.memref_squeeze %dma_wait3A_194 : memref<1x128x128xf32, #tpu.memory_space<vmem>> -> memref<128x128xf32, #tpu.memory_space<vmem>>
    %dma_wait3A_196 = arith.constant 0 : i32
    %dma_wait3A_197 = arith.constant 0 : i32
    %dma_wait3A_198 = tpu.memref_slice %arg3[%dma_wait3A_196, %dma_wait3A_197] : memref<1000000x128xf32, #tpu.memory_space<hbm>> -> memref<128x128xf32, #tpu.memory_space<hbm>>
    tpu.wait_dma2 semaphore(%dma_wait3A_191 : memref<!tpu.dma_semaphore, #tpu.memory_space<semaphore_mem>>) src(%dma_wait3A_198 : memref<128x128xf32, #tpu.memory_space<hbm>>) dst(%dma_wait3A_195 : memref<128x128xf32, #tpu.memory_space<vmem>>)
    %add3A_199 = arith.constant 28416 : i32
    %add3A_200 = arith.addi %mul3A_2, %add3A_199 : i32
    %dma_start3A_201 = arith.constant 2 : i32
    %dma_start3A_202 = arith.constant 2 : i32
    %dma_start3A_203 = arith.constant 0 : i32
    %dma_start3A_204 = arith.constant 0 : i32
    %dma_start3A_205 = tpu.memref_slice %arg6[%dma_start3A_201, %dma_start3A_203, %dma_start3A_204] : memref<4x128x128xf32, #tpu.memory_space<vmem>> -> memref<1x128x128xf32, #tpu.memory_space<vmem>>
    %dma_start3A_206 = tpu.memref_squeeze %dma_start3A_205 : memref<1x128x128xf32, #tpu.memory_space<vmem>> -> memref<128x128xf32, #tpu.memory_space<vmem>>
    %dma_start3A_207 = arith.constant 0 : i32
    %dma_start3A_208 = tpu.memref_slice %arg4[%add3A_200, %dma_start3A_207] : memref<917504x128xf32, #tpu.memory_space<hbm>> -> memref<128x128xf32, #tpu.memory_space<hbm>>
    %dma_start3A_209 = tpu.memref_slice %arg8[%dma_start3A_202] : memref<4x!tpu.dma_semaphore, #tpu.memory_space<semaphore_mem>> -> memref<1x!tpu.dma_semaphore, #tpu.memory_space<semaphore_mem>>
    %dma_start3A_210 = tpu.memref_squeeze %dma_start3A_209 : memref<1x!tpu.dma_semaphore, #tpu.memory_space<semaphore_mem>> -> memref<!tpu.dma_semaphore, #tpu.memory_space<semaphore_mem>>
    %dma_start3A_211 = arith.constant 0 : i32
    %dma_start3A_212 = tpu.memref_slice %arg4[%add3A_200, %dma_start3A_211] : memref<917504x128xf32, #tpu.memory_space<hbm>> -> memref<128x128xf32, #tpu.memory_space<hbm>>
    %dma_start3A_213 = arith.constant 0 : i32
    %dma_start3A_214 = arith.constant 0 : i32
    %dma_start3A_215 = tpu.memref_slice %arg6[%dma_start3A_201, %dma_start3A_213, %dma_start3A_214] : memref<4x128x128xf32, #tpu.memory_space<vmem>> -> memref<1x128x128xf32, #tpu.memory_space<vmem>>
    %dma_start3A_216 = tpu.memref_squeeze %dma_start3A_215 : memref<1x128x128xf32, #tpu.memory_space<vmem>> -> memref<128x128xf32, #tpu.memory_space<vmem>>
    tpu.enqueue_dma source(%dma_start3A_216 : memref<128x128xf32, #tpu.memory_space<vmem>>) target(%dma_start3A_212 : memref<128x128xf32, #tpu.memory_space<hbm>>) target_semaphore(%dma_start3A_210 : memref<!tpu.dma_semaphore, #tpu.memory_space<semaphore_mem>>)
    %dma_wait3A_217 = arith.constant 2 : i32
    %dma_wait3A_218 = arith.constant 2 : i32
    %dma_wait3A_219 = arith.constant 0 : i32
    %dma_wait3A_220 = arith.constant 0 : i32
    %dma_wait3A_221 = tpu.memref_slice %arg6[%dma_wait3A_217, %dma_wait3A_219, %dma_wait3A_220] : memref<4x128x128xf32, #tpu.memory_space<vmem>> -> memref<1x128x128xf32, #tpu.memory_space<vmem>>
    %dma_wait3A_222 = tpu.memref_squeeze %dma_wait3A_221 : memref<1x128x128xf32, #tpu.memory_space<vmem>> -> memref<128x128xf32, #tpu.memory_space<vmem>>
    %dma_wait3A_223 = arith.constant 0 : i32
    %dma_wait3A_224 = tpu.memref_slice %arg4[%mul3A_2, %dma_wait3A_223] : memref<917504x128xf32, #tpu.memory_space<hbm>> -> memref<128x128xf32, #tpu.memory_space<hbm>>
    %dma_wait3A_225 = tpu.memref_slice %arg8[%dma_wait3A_218] : memref<4x!tpu.dma_semaphore, #tpu.memory_space<semaphore_mem>> -> memref<1x!tpu.dma_semaphore, #tpu.memory_space<semaphore_mem>>
    %dma_wait3A_226 = tpu.memref_squeeze %dma_wait3A_225 : memref<1x!tpu.dma_semaphore, #tpu.memory_space<semaphore_mem>> -> memref<!tpu.dma_semaphore, #tpu.memory_space<semaphore_mem>>
    %dma_wait3A_227 = arith.constant 0 : i32
    %dma_wait3A_228 = tpu.memref_slice %arg4[%mul3A_2, %dma_wait3A_227] : memref<917504x128xf32, #tpu.memory_space<hbm>> -> memref<128x128xf32, #tpu.memory_space<hbm>>
    %dma_wait3A_229 = arith.constant 0 : i32
    %dma_wait3A_230 = arith.constant 0 : i32
    %dma_wait3A_231 = tpu.memref_slice %arg6[%dma_wait3A_217, %dma_wait3A_229, %dma_wait3A_230] : memref<4x128x128xf32, #tpu.memory_space<vmem>> -> memref<1x128x128xf32, #tpu.memory_space<vmem>>
    %dma_wait3A_232 = tpu.memref_squeeze %dma_wait3A_231 : memref<1x128x128xf32, #tpu.memory_space<vmem>> -> memref<128x128xf32, #tpu.memory_space<vmem>>
    tpu.wait_dma2 semaphore(%dma_wait3A_226 : memref<!tpu.dma_semaphore, #tpu.memory_space<semaphore_mem>>) src(%dma_wait3A_232 : memref<128x128xf32, #tpu.memory_space<vmem>>) dst(%dma_wait3A_228 : memref<128x128xf32, #tpu.memory_space<hbm>>)
    %dma_wait3A_233 = arith.constant 3 : i32
    %dma_wait3A_234 = arith.constant 3 : i32
    %dma_wait3A_235 = arith.constant 0 : i32
    %dma_wait3A_236 = arith.constant 0 : i32
    %dma_wait3A_237 = tpu.memref_slice %arg6[%dma_wait3A_233, %dma_wait3A_235, %dma_wait3A_236] : memref<4x128x128xf32, #tpu.memory_space<vmem>> -> memref<1x128x128xf32, #tpu.memory_space<vmem>>
    %dma_wait3A_238 = tpu.memref_squeeze %dma_wait3A_237 : memref<1x128x128xf32, #tpu.memory_space<vmem>> -> memref<128x128xf32, #tpu.memory_space<vmem>>
    %dma_wait3A_239 = arith.constant 0 : i32
    %dma_wait3A_240 = arith.constant 0 : i32
    %dma_wait3A_241 = tpu.memref_slice %arg3[%dma_wait3A_239, %dma_wait3A_240] : memref<1000000x128xf32, #tpu.memory_space<hbm>> -> memref<128x128xf32, #tpu.memory_space<hbm>>
    %dma_wait3A_242 = tpu.memref_slice %arg7[%dma_wait3A_234] : memref<4x!tpu.dma_semaphore, #tpu.memory_space<semaphore_mem>> -> memref<1x!tpu.dma_semaphore, #tpu.memory_space<semaphore_mem>>
    %dma_wait3A_243 = tpu.memref_squeeze %dma_wait3A_242 : memref<1x!tpu.dma_semaphore, #tpu.memory_space<semaphore_mem>> -> memref<!tpu.dma_semaphore, #tpu.memory_space<semaphore_mem>>
    %dma_wait3A_244 = arith.constant 0 : i32
    %dma_wait3A_245 = arith.constant 0 : i32
    %dma_wait3A_246 = tpu.memref_slice %arg6[%dma_wait3A_233, %dma_wait3A_244, %dma_wait3A_245] : memref<4x128x128xf32, #tpu.memory_space<vmem>> -> memref<1x128x128xf32, #tpu.memory_space<vmem>>
    %dma_wait3A_247 = tpu.memref_squeeze %dma_wait3A_246 : memref<1x128x128xf32, #tpu.memory_space<vmem>> -> memref<128x128xf32, #tpu.memory_space<vmem>>
    %dma_wait3A_248 = arith.constant 0 : i32
    %dma_wait3A_249 = arith.constant 0 : i32
    %dma_wait3A_250 = tpu.memref_slice %arg3[%dma_wait3A_248, %dma_wait3A_249] : memref<1000000x128xf32, #tpu.memory_space<hbm>> -> memref<128x128xf32, #tpu.memory_space<hbm>>
    tpu.wait_dma2 semaphore(%dma_wait3A_243 : memref<!tpu.dma_semaphore, #tpu.memory_space<semaphore_mem>>) src(%dma_wait3A_250 : memref<128x128xf32, #tpu.memory_space<hbm>>) dst(%dma_wait3A_247 : memref<128x128xf32, #tpu.memory_space<vmem>>)
    %add3A_251 = arith.constant 28544 : i32
    %add3A_252 = arith.addi %mul3A_2, %add3A_251 : i32
    %dma_start3A_253 = arith.constant 3 : i32
    %dma_start3A_254 = arith.constant 3 : i32
    %dma_start3A_255 = arith.constant 0 : i32
    %dma_start3A_256 = arith.constant 0 : i32
    %dma_start3A_257 = tpu.memref_slice %arg6[%dma_start3A_253, %dma_start3A_255, %dma_start3A_256] : memref<4x128x128xf32, #tpu.memory_space<vmem>> -> memref<1x128x128xf32, #tpu.memory_space<vmem>>
    %dma_start3A_258 = tpu.memref_squeeze %dma_start3A_257 : memref<1x128x128xf32, #tpu.memory_space<vmem>> -> memref<128x128xf32, #tpu.memory_space<vmem>>
    %dma_start3A_259 = arith.constant 0 : i32
    %dma_start3A_260 = tpu.memref_slice %arg4[%add3A_252, %dma_start3A_259] : memref<917504x128xf32, #tpu.memory_space<hbm>> -> memref<128x128xf32, #tpu.memory_space<hbm>>
    %dma_start3A_261 = tpu.memref_slice %arg8[%dma_start3A_254] : memref<4x!tpu.dma_semaphore, #tpu.memory_space<semaphore_mem>> -> memref<1x!tpu.dma_semaphore, #tpu.memory_space<semaphore_mem>>
    %dma_start3A_262 = tpu.memref_squeeze %dma_start3A_261 : memref<1x!tpu.dma_semaphore, #tpu.memory_space<semaphore_mem>> -> memref<!tpu.dma_semaphore, #tpu.memory_space<semaphore_mem>>
    %dma_start3A_263 = arith.constant 0 : i32
    %dma_start3A_264 = tpu.memref_slice %arg4[%add3A_252, %dma_start3A_263] : memref<917504x128xf32, #tpu.memory_space<hbm>> -> memref<128x128xf32, #tpu.memory_space<hbm>>
    %dma_start3A_265 = arith.constant 0 : i32
    %dma_start3A_266 = arith.constant 0 : i32
    %dma_start3A_267 = tpu.memref_slice %arg6[%dma_start3A_253, %dma_start3A_265, %dma_start3A_266] : memref<4x128x128xf32, #tpu.memory_space<vmem>> -> memref<1x128x128xf32, #tpu.memory_space<vmem>>
    %dma_start3A_268 = tpu.memref_squeeze %dma_start3A_267 : memref<1x128x128xf32, #tpu.memory_space<vmem>> -> memref<128x128xf32, #tpu.memory_space<vmem>>
    tpu.enqueue_dma source(%dma_start3A_268 : memref<128x128xf32, #tpu.memory_space<vmem>>) target(%dma_start3A_264 : memref<128x128xf32, #tpu.memory_space<hbm>>) target_semaphore(%dma_start3A_262 : memref<!tpu.dma_semaphore, #tpu.memory_space<semaphore_mem>>)
    %dma_wait3A_269 = arith.constant 3 : i32
    %dma_wait3A_270 = arith.constant 3 : i32
    %dma_wait3A_271 = arith.constant 0 : i32
    %dma_wait3A_272 = arith.constant 0 : i32
    %dma_wait3A_273 = tpu.memref_slice %arg6[%dma_wait3A_269, %dma_wait3A_271, %dma_wait3A_272] : memref<4x128x128xf32, #tpu.memory_space<vmem>> -> memref<1x128x128xf32, #tpu.memory_space<vmem>>
    %dma_wait3A_274 = tpu.memref_squeeze %dma_wait3A_273 : memref<1x128x128xf32, #tpu.memory_space<vmem>> -> memref<128x128xf32, #tpu.memory_space<vmem>>
    %dma_wait3A_275 = arith.constant 0 : i32
    %dma_wait3A_276 = tpu.memref_slice %arg4[%mul3A_2, %dma_wait3A_275] : memref<917504x128xf32, #tpu.memory_space<hbm>> -> memref<128x128xf32, #tpu.memory_space<hbm>>
    %dma_wait3A_277 = tpu.memref_slice %arg8[%dma_wait3A_270] : memref<4x!tpu.dma_semaphore, #tpu.memory_space<semaphore_mem>> -> memref<1x!tpu.dma_semaphore, #tpu.memory_space<semaphore_mem>>
    %dma_wait3A_278 = tpu.memref_squeeze %dma_wait3A_277 : memref<1x!tpu.dma_semaphore, #tpu.memory_space<semaphore_mem>> -> memref<!tpu.dma_semaphore, #tpu.memory_space<semaphore_mem>>
    %dma_wait3A_279 = arith.constant 0 : i32
    %dma_wait3A_280 = tpu.memref_slice %arg4[%mul3A_2, %dma_wait3A_279] : memref<917504x128xf32, #tpu.memory_space<hbm>> -> memref<128x128xf32, #tpu.memory_space<hbm>>
    %dma_wait3A_281 = arith.constant 0 : i32
    %dma_wait3A_282 = arith.constant 0 : i32
    %dma_wait3A_283 = tpu.memref_slice %arg6[%dma_wait3A_269, %dma_wait3A_281, %dma_wait3A_282] : memref<4x128x128xf32, #tpu.memory_space<vmem>> -> memref<1x128x128xf32, #tpu.memory_space<vmem>>
    %dma_wait3A_284 = tpu.memref_squeeze %dma_wait3A_283 : memref<1x128x128xf32, #tpu.memory_space<vmem>> -> memref<128x128xf32, #tpu.memory_space<vmem>>
    tpu.wait_dma2 semaphore(%dma_wait3A_278 : memref<!tpu.dma_semaphore, #tpu.memory_space<semaphore_mem>>) src(%dma_wait3A_284 : memref<128x128xf32, #tpu.memory_space<vmem>>) dst(%dma_wait3A_280 : memref<128x128xf32, #tpu.memory_space<hbm>>)
    return
  }
}

</mosaic_0001>

<sc_bundles>
// kernel: _sc_gather.3.cloned.1.call-start
scs
__scs_entry_jumppad:
0x0: {  	(pc) =	sbr.rel $0x88, $3  }
0x1: {  	(tag) =	ssettag $0x0;
	lr =	simm.s32 $0x1  }
0x2: {  	[smem:$0x3F9F] =	sst lr;
	_ =	strace $0xD0000000  }
0x3: {  	_ = 	snop  }
0x4: {  	_ = 	snop  }
0x5: {  	_ = 	snop  }
0x6: {  	_ = 	snop  }
0x7: {  	_ = 	snop  }
__scs_overlays_trampoline_lowered:
0x8: {  	[smem:$0x3FAE] =	sst s0  }
0x9: {  	[smem:$0x3FAF] =	sst s1  }
0xa: {  	[smem:$0x3FB0] =	sst s2  }
0xb: {  	[smem:$0x3FB1] =	sst s3  }
0xc: {  	[smem:$0x3FB2] =	sst s4  }
0xd: {  	[smem:$0x3FB3] =	sst s5  }
0xe: {  	[smem:$0x3FB4] =	sst s6  }
0xf: {  	[smem:$0x3FB5] =	sst s7  }
0x10: {  	[smem:$0x3FB6] =	sst s8  }
0x11: {  	[smem:$0x3FB7] =	sst s9;
	s0 =	simm.s32 @!p0 $0x0  }
0x12: {  	s1 =	sld [smem:$0x3F9D];
	s0 =	simm.s32 @p0 $0x1  }
0x13: {  	[smem:$0x3FB8] =	sst s0;
	s0 =	simm.s32 @!p1 $0x0  }
0x14: {  	s2 =	sld [smem:$0x3F9C];
	s0 =	simm.s32 @p1 $0x1  }
0x15: {  	[smem:$0x3FB9] =	sst s0;
	s0 =	simm.s32 @!p2 $0x0  }
0x16: {  	s3 =	sld [smem:$0x3FDB];
	s0 =	simm.s32 @p2 $0x1  }
0x17: {  	s4 =	simm.s32 $0x1BF5;
	[smem:$0x3FBB] =	sst s0  }
0x18: {  	s0 =	sld [smem:$0x3F9E];
	_ =	swait.ge [sflag:s4], $0x0  }
0x19: {  	s7 =	sld [smem:$0x3F9F]  }
0x1a: {  	s8 =	sadd.s32 $0xFFFFE003, lr  }
0x1b: {  	s9 =	sadd.s32 $0xFFFFFEF7, lr;
	s5 =	simm.s32 $0xFFFFFFFF;
	p2 =	slt.u32 s8, $0xFFFFF086  }
0x1c: {  	p1 =	slt.u32 s9, $0xF7A;
	s5 =	simm.s32 @!p2 $0x0  }
0x1d: {  	s5 =	simm.s32 @p1 $0x1;
	p0 =	seq.s32 s7, s2  }
0x1e: {  	s7 =	smul.u32 @!p0 $0xF7A, s2;
	p2 =	seq.s32 @!p0 s5, $0x0  }
0x1f: {  	s9 =	smul.u32 $0xF7A, s1;
	s8 =	simm.s32 @!p0 $0x1BF5;
	p2 =	por !p2, p0  }
0x20: {  	[sflag:s8] =	ssyncset.s32 @!p0 $0xFFFFF086;
	s6 =	sadd.s32 @!p0 s3, s7;
	s7 =	simm.s32 @!p0 $0x108  }
0x21: {  	s3 =	sadd.s32 s3, s9;
	s6 =	sadd.s32 @!p0 $0x88, s6;
	s7 =	simm.s32 @p2 $0x1082  }
0x22: {  	[simem:s7], [sflag:s8] =	dma.local @!p0 [hbm:s6], $0xF7A  }
0x23: {  	s9 =	sor.u32 $0xD0000000, s2;
	s6 =	simm.s32 $0x108;
	_ =	swait.ge @!p0 [sflag:s8], $0x0  }
0x24: {  	s3 =	sadd.s32 $0x88, s3;
	s6 =	simm.s32 @!p1 $0x1082;
	[sflag:s4] =	ssyncset.s32 $0xFFFFF086  }
0x25: {  	[simem:s6], [sflag:s4] =	dma.local [hbm:s3], $0xF7A  }
0x26: {  	[smem:$0x3F9F] =	sst s1;
	(tag) =	ssettag s2;
	_ =	strace s9  }
0x27: {  	s1 =	sld [smem:$0x3FAF]  }
0x28: {  	s2 =	sld [smem:$0x3FB0]  }
0x29: {  	s4 =	sld [smem:$0x3FB2]  }
0x2a: {  	p0 =	seq.s32 s5, $0x0;
	s5 =	sld [smem:$0x3FB3]  }
0x2b: {  	s6 =	sld [smem:$0x3FB4]  }
0x2c: {  	s7 =	sld [smem:$0x3FB5]  }
0x2d: {  	s3 =	simm.s32 $0x108;
	s8 =	sld [smem:$0x3FB6]  }
0x2e: {  	s3 =	simm.s32 @!p0 $0x1082;
	s9 =	sld [smem:$0x3FB7]  }
0x2f: {  	lr =	sadd.s32 s0, s3;
	s0 =	sld [smem:$0x3FAE]  }
0x30: {  	s3 =	sld [smem:$0x3FB1]  }
0x31: {  	[smem:$0x3FBA] =	sst s10  }
0x32: {  	s10 =	sld [smem:$0x3FB8];
	_ =	sdelay $0x3  }
0x33: {  	p0 =	seq.s32 s10, $0x1;
	s10 =	sld [smem:$0x3FBA];
	_ =	sdelay $0x3  }
0x34: {  	[smem:$0x3FBA] =	sst s10  }
0x35: {  	s10 =	sld [smem:$0x3FB9];
	_ =	sdelay $0x3  }
0x36: {  	p1 =	seq.s32 s10, $0x1;
	s10 =	sld [smem:$0x3FBA];
	_ =	sdelay $0x3  }
0x37: {  	[smem:$0x3FBA] =	sst s10  }
0x38: {  	s10 =	sld [smem:$0x3FBB]  }
0x39: {  	_ = 	snop;
	(pc) =	sbr.ind lr, $3  }
0x3a: {  	_ = 	snop  }
0x3b: {  	_ = 	snop  }
0x3c: {  	p2 =	seq.s32 s10, $0x1;
	s10 =	sld [smem:$0x3FBA]  }
0x3d: {  	_ =	shalt  }
0x3e: {  	_ =	shalt  }
0x3f: {  	_ =	shalt  }
0x40: {  	_ =	shalt  }
0x41: {  	_ =	shalt  }
0x42: {  	_ =	shalt  }
0x43: {  	_ =	shalt  }
0x44: {  	_ =	shalt  }
0x45: {  	_ =	shalt  }
0x46: {  	_ =	shalt  }
0x47: {  	_ =	shalt  }
0x48: {  	_ =	shalt  }
0x49: {  	_ =	shalt  }
0x4a: {  	_ =	shalt  }
0x4b: {  	_ =	shalt  }
0x4c: {  	_ =	shalt  }
0x4d: {  	_ =	shalt  }
0x4e: {  	_ =	shalt  }
0x4f: {  	_ =	shalt  }
0x50: {  	_ =	shalt  }
0x51: {  	_ =	shalt  }
0x52: {  	_ =	shalt  }
0x53: {  	_ =	shalt  }
0x54: {  	_ =	shalt  }
0x55: {  	_ =	shalt  }
0x56: {  	_ =	shalt  }
0x57: {  	_ =	shalt  }
0x58: {  	_ =	shalt  }
0x59: {  	_ =	shalt  }
0x5a: {  	_ =	shalt  }
0x5b: {  	_ =	shalt  }
0x5c: {  	_ =	shalt  }
0x5d: {  	_ =	shalt  }
0x5e: {  	_ =	shalt  }
0x5f: {  	_ =	shalt  }
0x60: {  	_ =	shalt  }
0x61: {  	_ =	shalt  }
0x62: {  	_ =	shalt  }
0x63: {  	_ =	shalt  }
0x64: {  	_ =	shalt  }
0x65: {  	_ =	shalt  }
0x66: {  	_ =	shalt  }
0x67: {  	_ =	shalt  }
0x68: {  	_ =	shalt  }
0x69: {  	_ =	shalt  }
0x6a: {  	_ =	shalt  }
0x6b: {  	_ =	shalt  }
0x6c: {  	_ =	shalt  }
0x6d: {  	_ =	shalt  }
0x6e: {  	_ =	shalt  }
0x6f: {  	_ =	shalt  }
0x70: {  	_ =	shalt  }
0x71: {  	_ =	shalt  }
0x72: {  	_ =	shalt  }
0x73: {  	_ =	shalt  }
0x74: {  	_ =	shalt  }
0x75: {  	_ =	shalt  }
0x76: {  	_ =	shalt  }
0x77: {  	_ =	shalt  }
0x78: {  	_ =	shalt  }
0x79: {  	_ =	shalt  }
0x7a: {  	_ =	shalt  }
0x7b: {  	_ =	shalt  }
0x7c: {  	_ =	shalt  }
0x7d: {  	_ =	shalt  }
0x7e: {  	_ =	shalt  }
0x7f: {  	_ =	shalt  }
0x80: {  	_ =	shalt  }
0x81: {  	_ =	shalt  }
0x82: {  	_ =	shalt  }
0x83: {  	_ =	shalt  }
0x84: {  	_ =	shalt  }
0x85: {  	_ =	shalt  }
0x86: {  	_ =	shalt  }
0x87: {  	_ =	shalt  }
.Lfunc_end0:
.L_simem_size_0:
called_computation_lowered:
.L_overlay_start_0:
0x88: {  	s2 =	sld [smem:$0x3FD9]  }
0x89: {  	s3 =	sld [smem:$0x3FFE];
	_ =	sdelay $0x1  }
0x8a: {  	s1 =	srdreg.scid  }
0x8b: {  	s0 =	sand.u32 $0x1, s1  }
0x8c: {  	s18 =	sshll.u32 s0, $0xA;
	s2 =	sadd.s32 s3, s2  }
0x8d: {  	s2 =	sadd.s32 s2, s18  }
0x8e: {  	[smem:$0x3FC6] =	sst s2  }
0x8f: {  	_ = 	snop  }
0x90: {  	s2 =	sld [smem:$0x3FC9]  }
0x91: {  	s19 =	sld [smem:$0x3FC8]  }
0x92: {  	s4 =	sld [smem:$0x3FD0];
	(tm) =	ssettm $0x1  }
0x93: {  	s5 =	sld [smem:$0x3FFB];
	_ =	sdelay $0x3  }
0x94: {  	_ =	strace s5  }
0x95: {  	s5 =	sld [smem:$0x3FFC];
	_ =	sdelay $0x3  }
0x96: {  	_ =	strace s5  }
0x97: {  	s5 =	sld [smem:$0x3FFD];
	_ =	sdelay $0x3  }
0x98: {  	_ =	strace s5  }
0x99: {  	_ =	strace $0x8FFFFFFF  }
0x9a: {  	s20 =	sld [smem:$0x3FDB];
	_ =	sdelay $0x1  }
0x9b: {  	s6 =	simm.s32 $_scs_section_size  }
0x9c: {  	s7 =	simm.s32 $_size__tile_overlayer_lowered;
	s8 =	simm.s32 $_tile_overlayer_lowered  }
0x9d: {  	s23 =	simm.s32 $0x1BFF;
	s22 =	sshll.u32 s8, $0x1;
	s5 =	sadd.s32 s6, s20  }
0x9e: {  	s9 =	simm.s32 $0x0;
	s21 =	sshll.u32 s7, $0x1;
	s7 =	sadd.s32 s22, s5  }
0x9f: {  	[timem:s9], [sflag:s23] =	dma.local [hbm:s7], s21  }
0xa0: {  	_ =	swait.ge [sflag:s23], s21  }
0xa1: {  	s6 =	ssub.s32 $0x0, s21;
	[sflag:s23] =	ssyncset.done $0x0  }
0xa2: {  	[sflag:s23] =	ssyncadd.s32 s6;
	_ =	sdelay $0x1  }
0xa3: {  	s24 =	simm.s32 $0x1B8B  }
0xa4: {  	_ =	swait.ge [sflag:s24], $0x1  }
0xa5: {  	[sflag:s24] =	ssyncset.done $0x0  }
0xa6: {  	s25 =	simm.s32 $0x1B8E;
	[sflag:s24] =	ssyncadd.s32 $0xFFFFFFFF  }
0xa7: {  	s26 =	simm.s32 $execute0_lowered;
	[smem:$0x3FD2] =	sst s25  }
0xa8: {  	s6 =	sshll.u32 s26, $0x1;
	_ =	strace $0x80000046;
	[dreg:$0x1] =	wrdreg $0xFFFFFFFF  }
0xa9: {  	s28 =	simm.s32 $_size_execute0_lowered;
	s5 =	sadd.s32 s5, s6;
	[dreg:$0x0] =	wrdreg $0x0  }
0xaa: {  	s6 =	sshll.u32 s28, $0x1;
	[dreg:$0x2] =	wrdreg s5  }
0xab: {  	[dreg:$0x3] =	wrdreg s6  }
0xac: {  	[dreg:$0x4] =	wrdreg $0xC0  }
0xad: {  	_ =	task [dreg:s9], $0x5FFFF  }
0xae: {  	[dreg:$0x1] =	wrdreg $0xFFFFFFFF  }
0xaf: {  	[dreg:$0x0] =	wrdreg $0x60  }
0xb0: {  	[dreg:$0x2] =	wrdreg s2  }
0xb1: {  	[dreg:$0x3] =	wrdreg s19  }
0xb2: {  	[dreg:$0x4] =	wrdreg s4  }
0xb3: {  	[dreg:$0x5] =	wrdreg $0x9  }
0xb4: {  	_ =	task.clear_ibuf [dreg:s9], $0x6FFFF;
	_ =	strace $0x90000046  }
0xb5: {  	s29 =	simm.s32 $0x9;
	_ =	strace $0x80000048  }
0xb6: {  	_ =	swait.ge [sflag:s29], $0x1  }
0xb7: {  	[sflag:s29] =	ssyncadd.s32 $0xFFFFFFFF  }
0xb8: {  	_ =	strace $0x90000048  }
0xb9: {  	_ =	sfence  }
0xba: {  	s30 =	sld [smem:$0x0];
	_ =	sdelay $0x2  }
0xbb: {  	s31 =	sshll.u32 s1, $0xD;
	s1 =	sshrl.u32 s1, $0x2  }
0xbc: {  	s3 =	sand.u32 $0x4000, s31;
	s1 =	sadd.s32 s1, s30  }
0xbd: {  	s0 =	sor.u32 s3, s0;
	s1 =	sshll.u32 s1, $0x11  }
0xbe: {  	s0 =	sor.u32 s1, s0  }
0xbf: {  	s0 =	sadd.s32 $0x8F2B, s0  }
0xc0: {  	[sflag:s0] =	ssyncadd.remote.s32 $0x1  }
0xc1: {  	_ =	sfence.sel $0xFFFF  }
0xc2: {  	[dreg:$0x0] =	wrdreg $0xFFFFFFFF;
	(pc) =	sbr.abs _section_cstart, $3  }
0xc3: {  	[dreg:$0x1] =	wrdreg $0xFFFFFFFF  }
0xc4: {  	_ =	task.clear_ibuf [dreg:s9], $0x2FFFF;
	_ =	strace $0x9FFFFFFF  }
0xc5: {  	(tm) =	ssettm $0x7FFFFFFF  }
tec
execute0_lowered:
.L_overlay_start_1:
0x0: {  	(tag) =	ssettag $0x1  }
0x1: {  	s1 =	rddreg [dreg:$0x0]  }
0x2: {  	s2 =	rddreg [dreg:$0x1];
	s3 =	srdreg.scid  }
0x3: {  	s0 =	stileid.u32;
	s11 =	rddreg [dreg:$0x2]  }
0x4: {  	s14 =	simm.s32 $0x7000;
	s15 =	simm.s32 $0xB000;
	s17 =	simm.s32 $0xF000  }
0x5: {  	s18 =	simm.s32 $0x180;
	s19 =	simm.s32 $0x13000;
	s20 =	simm.s32 $0x1  }
0x6: {  	s21 =	simm.s32 $0x5;
	s22 =	simm.s32 $0x2;
	s23 =	simm.s32 $0x6  }
0x7: {  	s28 =	simm.s32 $0x8;
	s29 =	simm.s32 $0x0;
	s8 =	smul.u32 $0x700000, s0  }
0x8: {  	s9 =	sand.u32 $0x1, s3;
	s4 =	sshll.u32 s0, $0x1;
	s26 =	smul.u32 $0xE0000, s0  }
0x9: {  	s3 =	simm.s32 $0x0;
	s4 =	sor.u32 s9, s4;
	s13 =	smul.u32 $0x380000, s9  }
0xa: {  	[smem:$0x7FF] =	sst s3;
	s5 =	ssub.s32 $0x2, s9;
	s30 =	smul.u32 $0x70000, s9  }
0xb: {  	s6 =	smul.u32 $0x380000, s4;
	_ =	strace $0x80000047;
	s7 =	sshrl.u32 s5, $0x1  }
0xc: {  	s4 =	smul.u32 $0x7000, s4;
	s31 =	sadd.s32 s26, s11;
	s26 =	simm.s32 $0x4  }
0xd: {  	s10 =	ssub.s32 s5, s7;
	s25 =	sadd.s32 s13, s8;
	s13 =	simm.s32 $0x80  }
0xe: {  	s24 =	sshrl.u32 s6, $0x3;
	s4 =	sshrl.u32 s4, $0x3;
	s9 =	smax.u32 s10, $0x1  }
0xf: {  	s12 =	sadd.s32 s11, s24;
	s4 =	sadd.s32 s1, s4;
	s1 =	sshrl.u32 s25, $0x3  }
0x10: {  	s24 =	simm.s32 $0x3;
	s25 =	simm.s32 $0x7;
	s5 =	sadd.s32 $0x6E000, s12  }
0x11: {  	s6 =	sadd.s32 $0x6E800, s12;
	s7 =	sadd.s32 $0x6F000, s12;
	s8 =	sadd.s32 $0x6F800, s12  }
0x12: {  	s10 =	sadd.s32 s1, s11;
	s11 =	sadd.s32 s30, s31;
	s12 =	simm.s32 $0x9  }
.LBB2_1:
0x13: {  	[tilespmem:s3], [sflag:$0x9] =	stream.linear.gather [hbm4b:s4+s3], $0x7000, $0x38;
	[tilespmem:$0x17000] =	vst v63  }
0x14: {  	_ =	swait.ge [sflag:s12], $0x7000  }
0x15: {  	[sflag:s12] =	ssyncset.done $0x0  }
0x16: {  	[sflag:s12] =	ssyncadd.s32 $0xFFFF9000  }
0x17: {  	[tilespmem:s14], [sflag:$0x1] =	stream.indirect.gather [hbm4b:s2+s13], $0x80, s3, s13, $0xb8;
	[tilespmem:$0x17000] =	vst v63  }
0x18: {  	_ = 	snop  }
0x19: {  	[tilespmem:s15], [sflag:$0x2] =	stream.indirect.gather [hbm4b:s2+s13], $0x80, s13, s13, $0xb8;
	[tilespmem:$0x17000] =	vst v63  }
0x1a: {  	s0 =	simm.s32 $0x100  }
0x1b: {  	[tilespmem:s17], [sflag:$0x3] =	stream.indirect.gather [hbm4b:s2+s13], $0x80, s0, s13, $0xb8;
	[tilespmem:$0x17000] =	vst v63  }
0x1c: {  	_ = 	snop  }
0x1d: {  	[tilespmem:s19], [sflag:$0x4] =	stream.indirect.gather [hbm4b:s2+s13], $0x80, s18, s13, $0xb8;
	[tilespmem:$0x17000] =	vst v63  }
0x1e: {  	_ =	swait.ge [sflag:s20], $0x4000  }
0x1f: {  	[sflag:s20] =	ssyncset.done $0x0  }
0x20: {  	s1 =	sadd.s32 $0x0, s10;
	[sflag:s20] =	ssyncadd.s32 $0xFFFFC000  }
0x21: {  	[hbm4b:s1+s3] =	stream.linear.scatter [tilespmem:s14], [sflag:$0x5], $0x4000, $0x38;
	[tilespmem:$0x17000] =	vst v63  }
0x22: {  	_ =	swait.ge [sflag:s21], $0x4000  }
0x23: {  	[sflag:s21] =	ssyncset.done $0x0  }
0x24: {  	s0 =	simm.s32 $0x200;
	[sflag:s21] =	ssyncadd.s32 $0xFFFFC000  }
0x25: {  	[tilespmem:s14], [sflag:$0x1] =	stream.indirect.gather [hbm4b:s2+s13], $0x80, s0, s13, $0xb8;
	[tilespmem:$0x17000] =	vst v63  }
0x26: {  	_ =	swait.ge [sflag:s22], $0x4000  }
0x27: {  	s16 =	sadd.s32 $0x0, s11;
	[sflag:s22] =	ssyncset.done $0x0  }
0x28: {  	s30 =	sadd.s32 $0x800, s16;
	[sflag:s22] =	ssyncadd.s32 $0xFFFFC000  }
0x29: {  	[hbm4b:s30+s3] =	stream.linear.scatter [tilespmem:s15], [sflag:$0x6], $0x4000, $0x38;
	[tilespmem:$0x17000] =	vst v63  }
0x2a: {  	_ =	swait.ge [sflag:s23], $0x4000  }
0x2b: {  	[sflag:s23] =	ssyncset.done $0x0  }
0x2c: {  	s30 =	simm.s32 $0x280;
	[sflag:s23] =	ssyncadd.s32 $0xFFFFC000  }
0x2d: {  	[tilespmem:s15], [sflag:$0x2] =	stream.indirect.gather [hbm4b:s2+s13], $0x80, s30, s13, $0xb8;
	[tilespmem:$0x17000] =	vst v63  }
0x2e: {  	_ =	swait.ge [sflag:s24], $0x4000  }
0x2f: {  	[sflag:s24] =	ssyncset.done $0x0  }
0x30: {  	s30 =	sadd.s32 $0x1000, s16;
	[sflag:s24] =	ssyncadd.s32 $0xFFFFC000  }
0x31: {  	[hbm4b:s30+s3] =	stream.linear.scatter [tilespmem:s17], [sflag:$0x7], $0x4000, $0x38;
	[tilespmem:$0x17000] =	vst v63  }
0x32: {  	_ =	swait.ge [sflag:s25], $0x4000  }
0x33: {  	[sflag:s25] =	ssyncset.done $0x0  }
0x34: {  	s30 =	simm.s32 $0x300;
	[sflag:s25] =	ssyncadd.s32 $0xFFFFC000  }
0x35: {  	[tilespmem:s17], [sflag:$0x3] =	stream.indirect.gather [hbm4b:s2+s13], $0x80, s30, s13, $0xb8;
	[tilespmem:$0x17000] =	vst v63  }
0x36: {  	_ =	swait.ge [sflag:s26], $0x4000  }
0x37: {  	[sflag:s26] =	ssyncset.done $0x0  }
0x38: {  	s1 =	sadd.s32 $0x1800, s16;
	[sflag:s26] =	ssyncadd.s32 $0xFFFFC000  }
0x39: {  	[hbm4b:s1+s3] =	stream.linear.scatter [tilespmem:s19], [sflag:$0x8], $0x4000, $0x38;
	[tilespmem:$0x17000] =	vst v63  }
0x3a: {  	_ =	swait.ge [sflag:s28], $0x4000  }
0x3b: {  	s31 =	simm.s32 $0x2000;
	[sflag:s28] =	ssyncset.done $0x0  }
0x3c: {  	s30 =	simm.s32 $0x380;
	s1 =	simm.s32 $0x580;
	[sflag:s28] =	ssyncadd.s32 $0xFFFFC000  }
.LBB2_2:
0x3d: {  	[tilespmem:s19], [sflag:$0x4] =	stream.indirect.gather [hbm4b:s2+s13], $0x80, s30, s13, $0xb8;
	[tilespmem:$0x17000] =	vst v63  }
0x3e: {  	s0 =	smov.u32 s31;
	s30 =	smov.u32 s1  }
0x3f: {  	p0 =	sne.s32 s31, $0x6C000;
	s31 =	sadd.s32 $0x2000, s31;
	_ =	swait.ge [sflag:s20], $0x4000  }
0x40: {  	[sflag:s20] =	ssyncset.done $0x0  }
0x41: {  	s16 =	sadd.s32 s0, s10;
	[sflag:s20] =	ssyncadd.s32 $0xFFFFC000  }
0x42: {  	[hbm4b:s16+s3] =	stream.linear.scatter [tilespmem:s14], [sflag:$0x5], $0x4000, $0x38;
	[tilespmem:$0x17000] =	vst v63  }
0x43: {  	_ =	swait.ge [sflag:s21], $0x4000  }
0x44: {  	[sflag:s21] =	ssyncset.done $0x0  }
0x45: {  	s16 =	sadd.s32 $0xFFFFFE80, s1;
	[sflag:s21] =	ssyncadd.s32 $0xFFFFC000  }
0x46: {  	[tilespmem:s14], [sflag:$0x1] =	stream.indirect.gather [hbm4b:s2+s13], $0x80, s16, s13, $0xb8;
	[tilespmem:$0x17000] =	vst v63  }
0x47: {  	_ =	swait.ge [sflag:s22], $0x4000  }
0x48: {  	s0 =	sadd.s32 s0, s11;
	[sflag:s22] =	ssyncset.done $0x0  }
0x49: {  	s16 =	sadd.s32 $0x800, s0;
	[sflag:s22] =	ssyncadd.s32 $0xFFFFC000  }
0x4a: {  	[hbm4b:s16+s3] =	stream.linear.scatter [tilespmem:s15], [sflag:$0x6], $0x4000, $0x38;
	[tilespmem:$0x17000] =	vst v63  }
0x4b: {  	_ =	swait.ge [sflag:s23], $0x4000  }
0x4c: {  	[sflag:s23] =	ssyncset.done $0x0  }
0x4d: {  	s16 =	sadd.s32 $0xFFFFFF00, s1;
	[sflag:s23] =	ssyncadd.s32 $0xFFFFC000  }
0x4e: {  	[tilespmem:s15], [sflag:$0x2] =	stream.indirect.gather [hbm4b:s2+s13], $0x80, s16, s13, $0xb8;
	[tilespmem:$0x17000] =	vst v63  }
0x4f: {  	_ =	swait.ge [sflag:s24], $0x4000  }
0x50: {  	[sflag:s24] =	ssyncset.done $0x0  }
0x51: {  	s16 =	sadd.s32 $0x1000, s0;
	[sflag:s24] =	ssyncadd.s32 $0xFFFFC000  }
0x52: {  	[hbm4b:s16+s3] =	stream.linear.scatter [tilespmem:s17], [sflag:$0x7], $0x4000, $0x38;
	[tilespmem:$0x17000] =	vst v63  }
0x53: {  	_ =	swait.ge [sflag:s25], $0x4000  }
0x54: {  	[sflag:s25] =	ssyncset.done $0x0  }
0x55: {  	s16 =	sadd.s32 $0xFFFFFF80, s1;
	[sflag:s25] =	ssyncadd.s32 $0xFFFFC000  }
0x56: {  	[tilespmem:s17], [sflag:$0x3] =	stream.indirect.gather [hbm4b:s2+s13], $0x80, s16, s13, $0xb8;
	[tilespmem:$0x17000] =	vst v63  }
0x57: {  	_ =	swait.ge [sflag:s26], $0x4000  }
0x58: {  	[sflag:s26] =	ssyncset.done $0x0  }
.Ltmp0:
0x59: {  	s0 =	sadd.s32 $0x1800, s0;
	[sflag:s26] =	ssyncadd.s32 $0xFFFFC000;
	(pc) =	sbr.rel @p0 .LBB2_2-.Ltmp0, $4  }
0x5a: {  	[hbm4b:s0+s3] =	stream.linear.scatter [tilespmem:s19], [sflag:$0x8], $0x4000, $0x38;
	[tilespmem:$0x17000] =	vst v63  }
0x5b: {  	_ =	swait.ge [sflag:s28], $0x4000  }
0x5c: {  	[sflag:s28] =	ssyncset.done $0x0  }
0x5d: {  	s1 =	sadd.s32 $0x200, s1;
	[sflag:s28] =	ssyncadd.s32 $0xFFFFC000  }
0x5e: {  	[tilespmem:s19], [sflag:$0x4] =	stream.indirect.gather [hbm4b:s2+s13], $0x80, s30, s13, $0xb8;
	[tilespmem:$0x17000] =	vst v63  }
0x5f: {  	_ =	swait.ge [sflag:s20], $0x4000  }
0x60: {  	[sflag:s20] =	ssyncset.done $0x0  }
0x61: {  	[sflag:s20] =	ssyncadd.s32 $0xFFFFC000  }
0x62: {  	[hbm4b:s5+s3] =	stream.linear.scatter [tilespmem:s14], [sflag:$0x5], $0x4000, $0x38;
	[tilespmem:$0x17000] =	vst v63  }
0x63: {  	_ =	swait.ge [sflag:s21], $0x4000  }
0x64: {  	[sflag:s21] =	ssyncset.done $0x0  }
0x65: {  	[sflag:s21] =	ssyncadd.s32 $0xFFFFC000  }
0x66: {  	_ =	swait.ge [sflag:s22], $0x4000  }
0x67: {  	[sflag:s22] =	ssyncset.done $0x0  }
0x68: {  	[sflag:s22] =	ssyncadd.s32 $0xFFFFC000  }
0x69: {  	[hbm4b:s6+s3] =	stream.linear.scatter [tilespmem:s15], [sflag:$0x6], $0x4000, $0x38;
	[tilespmem:$0x17000] =	vst v63  }
0x6a: {  	_ =	swait.ge [sflag:s23], $0x4000  }
0x6b: {  	[sflag:s23] =	ssyncset.done $0x0  }
0x6c: {  	[sflag:s23] =	ssyncadd.s32 $0xFFFFC000  }
0x6d: {  	_ =	swait.ge [sflag:s24], $0x4000  }
0x6e: {  	[sflag:s24] =	ssyncset.done $0x0  }
0x6f: {  	[sflag:s24] =	ssyncadd.s32 $0xFFFFC000  }
0x70: {  	[hbm4b:s7+s3] =	stream.linear.scatter [tilespmem:s17], [sflag:$0x7], $0x4000, $0x38;
	[tilespmem:$0x17000] =	vst v63  }
0x71: {  	_ =	swait.ge [sflag:s25], $0x4000  }
0x72: {  	[sflag:s25] =	ssyncset.done $0x0  }
0x73: {  	[sflag:s25] =	ssyncadd.s32 $0xFFFFC000  }
0x74: {  	s29 =	sadd.s32 $0x1, s29;
	_ =	swait.ge [sflag:s26], $0x4000  }
0x75: {  	p0 =	sne.s32 s29, s9;
	[sflag:s26] =	ssyncset.done $0x0  }
.Ltmp1:
0x76: {  	[sflag:s26] =	ssyncadd.s32 $0xFFFFC000;
	(pc) =	sbr.rel @p0 .LBB2_1-.Ltmp1, $4  }
0x77: {  	[hbm4b:s8+s3] =	stream.linear.scatter [tilespmem:s19], [sflag:$0x8], $0x4000, $0x38;
	[tilespmem:$0x17000] =	vst v63  }
0x78: {  	_ =	swait.ge [sflag:s28], $0x4000  }
0x79: {  	[sflag:s28] =	ssyncset.done $0x0  }
0x7a: {  	[sflag:s28] =	ssyncadd.s32 $0xFFFFC000  }
0x7b: {  	_ =	sfence.sel $0x180000  }
0x7c: {  	[bflag:$0x0] =	sbarrier.arrive $0xFFFF  }
0x7d: {  	_ =	strace $0x90000047  }
0x7e: {  	s0 =	stileid.u32;
	[bflag:$0x2] =	sbarrier.arrive $0xFFFF  }
0x7f: {  	p0 =	sne.s32 s0, $0x0;
	s0 =	rddreg [dreg:$0x3]  }
0x80: {  	s0 =	sadd.s32 @!p0 $0x100000, s0  }
0x81: {  	[sflag:s0] =	ssyncadd.tile.s32 @!p0 $0x1;
	_ =	shalt  }
.Lfunc_end2:
_tile_overlayer_lowered:
.L_overlay_start_2:
0x82: {  	(tag) =	ssettag $0x2  }
0x83: {  	s0 =	rddreg [dreg:$0x0];
	s2 =	stileid.u32  }
0x84: {  	s1 =	rddreg [dreg:$0x1];
	p0 =	sne.s32 s2, $0x0  }
0x85: {  	s3 =	rddreg [dreg:$0x2];
	[bflag:$0x3] =	sbarrier.arrive $0xFFFF;
	s2 =	simm.s32 @!p0 $0x1C09  }
0x86: {  	[timem:s3], [sflag:s2] =	dma.local @!p0 [hbm:s0], s1  }
0x87: {  	s0 =	simm.s32 @!p0 $0x9  }
0x88: {  	_ =	swait.ge @!p0 [sflag:s0], s1  }
0x89: {  	s1 =	ssub.s32 @!p0 $0x0, s1;
	[sflag:s0] =	ssyncset.done @!p0 $0x0  }
0x8a: {  	[sflag:s0] =	ssyncadd.s32 @!p0 s1  }
0x8b: {  	[bflag:$0x3] =	sbarrier.arrive $0xFFFF  }
0x8c: {  	_ =	shalt  }

</sc_bundles>
